<compile_context>
chip_gen: v7x
topology: tpu7x:2x2x1
jax: 0.10.2.dev20260603
libtpu: 0.0.44.dev20260713+nightly
codegen_flags: <defaults>
</compile_context>

<pallas_src>
import functools

import jax
import jax.numpy as jnp
from jax import lax
from jax.experimental import pallas as pl
from jax.experimental.pallas import tpu as pltpu
from jax.experimental.pallas import tpu_sc as plsc

N0 = 100000
N1 = 10000
N2 = 2048
D = 128
NC = 2
NS = 16
NW = NC * NS
STEP = 128
L = 16
NB = 2

NP1 = 10240
NP2 = 2048


def _seg_sums_sc(table, src, dst, zeros2d, zeros1d, np_rows):
    E = src.shape[0] - NB * STEP
    ept = E // NW
    nsteps = ept // STEP
    nhalf = nsteps // (2 * NB)
    rpz = np_rows // NS
    mesh = plsc.VectorSubcoreMesh(core_axis_name="c", subcore_axis_name="s")

    @functools.partial(
        pl.kernel,
        out_type=(
            jax.ShapeDtypeStruct((NC, np_rows, D), jnp.float32),
            jax.ShapeDtypeStruct((NC * np_rows,), jnp.float32),
        ),
        mesh=mesh,
        scratch_types=(
            [pltpu.VMEM((STEP,), jnp.int32) for _ in range(4 * NB)]
            + [
                pltpu.VMEM((NB, STEP, D), jnp.float32),
                pltpu.VMEM((STEP,), jnp.float32),
                pltpu.VMEM_SHARED((np_rows, D), jnp.float32),
                pltpu.VMEM_SHARED((np_rows,), jnp.float32),
            ]
            + [pltpu.SemaphoreType.DMA((NB,)) for _ in range(5)]
        ),
    )
    def k(table_h, src_h, dst_h, z2_h, z1_h, sums_h, cnt_h, *scr):
        sbuf = scr[:2 * NB]
        dbuf = scr[2 * NB:4 * NB]
        rows_v, ones_v, acc_sh, cnt_sh = scr[4 * NB:4 * NB + 4]
        gsem, ssem, csem, isems, isemd = scr[4 * NB + 4:]
        cid = lax.axis_index("c")
        sid = lax.axis_index("s")
        wid = sid * NC + cid
        r0 = sid * rpz
        base = wid * ept

        pltpu.sync_copy(z2_h.at[pl.ds(0, rpz)], acc_sh.at[pl.ds(r0, rpz)])
        pltpu.sync_copy(z1_h.at[pl.ds(0, rpz)], cnt_sh.at[pl.ds(r0, rpz)])
        ov = jnp.ones((L,), jnp.float32)
        for q in range(STEP // L):
            ones_v[pl.ds(q * L, L)] = ov
        plsc.subcore_barrier()

        @pl.loop(0, nsteps)
        def _(j):
            off = pl.multiple_of(base + j * STEP, STEP)
            pltpu.sync_copy(src_h.at[pl.ds(off, STEP)], sbuf[0])
            pltpu.sync_copy(dst_h.at[pl.ds(off, STEP)], dbuf[0])
            pltpu.async_copy(table_h.at[sbuf[0]], rows_v.at[0],
                             gsem.at[0]).wait()
            pltpu.sync_copy(rows_v.at[0], acc_sh.at[dbuf[0]], add=True)
            pltpu.sync_copy(ones_v, cnt_sh.at[dbuf[0]], add=True)

        plsc.subcore_barrier()
        pltpu.sync_copy(acc_sh.at[pl.ds(r0, rpz)],
                        sums_h.at[cid, pl.ds(r0, rpz)])
        pltpu.sync_copy(cnt_sh.at[pl.ds(r0, rpz)],
                        cnt_h.at[pl.ds(cid * np_rows + r0, rpz)])

    sums, cnt_flat = k(table, src, dst, zeros2d, zeros1d)
    return sums, cnt_flat.reshape(NC, np_rows)


def _sage_linear_tc(sums, cnts, xsrc, wl_t, wr_t, bias, nrows, blk, relu):
    np_rows = sums.shape[1]

    def body(sums_ref, cnt_ref, x_ref, wl_ref, wr_ref, b_ref, o_ref):
        i = pl.program_id(0)
        s = sums_ref[0] + sums_ref[1]
        c = cnt_ref[0, pl.ds(i * blk, blk)] + cnt_ref[1, pl.ds(i * blk, blk)]
        inv = 1.0 / jnp.maximum(c, 1.0)
        agg = s * inv[:, None]
        r = (jnp.dot(agg, wl_ref[...], preferred_element_type=jnp.float32)
             + jnp.dot(x_ref[...], wr_ref[...], preferred_element_type=jnp.float32)
             + b_ref[...])
        if relu:
            r = jnp.maximum(r, 0.0)
        o_ref[...] = r

    return pl.pallas_call(
        body,
        grid=(nrows // blk,),
        in_specs=[
            pl.BlockSpec((NC, blk, D), lambda i: (0, i, 0)),
            pl.BlockSpec((NC, np_rows), lambda i: (0, 0)),
            pl.BlockSpec((blk, D), lambda i: (i, 0)),
            pl.BlockSpec((D, D), lambda i: (0, 0)),
            pl.BlockSpec((D, D), lambda i: (0, 0)),
            pl.BlockSpec((1, D), lambda i: (0, 0)),
        ],
        out_specs=pl.BlockSpec((blk, D), lambda i: (i, 0)),
        out_shape=jax.ShapeDtypeStruct((nrows, D), jnp.float32),
    )(sums, cnts, xsrc, wl_t, wr_t, bias)


def _pad_edges(src, dst, scrap):
    e = src.shape[0]
    chunk = NW * STEP * 2 * NB
    ep = -(-e // chunk) * chunk + NB * STEP
    src = jnp.concatenate([src, jnp.zeros((ep - e,), jnp.int32)])
    dst = jnp.concatenate([dst, jnp.full((ep - e,), scrap, jnp.int32)])
    return src, dst


def kernel(x, src0, dst0, src1, dst1, n1, n2, Wl0, bl0, Wr0, Wl1, bl1, Wr1):
    src0, dst0 = _pad_edges(src0, dst0, N1)
    src1, dst1 = _pad_edges(src1, dst1, N2 - 1)

    zeros2d = jnp.zeros((NP1 // NS, D), jnp.float32)
    zeros1d = jnp.zeros((NP1 // NS,), jnp.float32)
    zero = (jnp.asarray(n1, jnp.int32) - N1
            + jnp.asarray(n2, jnp.int32) - N2).astype(jnp.float32)

    sums0, cnt0 = _seg_sums_sc(x, src0, dst0, zeros2d, zeros1d, NP1)
    h = _sage_linear_tc(sums0, cnt0, x, Wl0.T, Wr0.T, bl0[None, :],
                        NP1, 1024, relu=True)

    sums1, cnt1 = _seg_sums_sc(h, src1, dst1, zeros2d, zeros1d, NP2)
    out = _sage_linear_tc(sums1, cnt1, h, Wl1.T, Wr1.T, (bl1 + zero)[None, :],
                          N2, 1024, relu=False)
    return out

# --- scband reference (transcript-rebuilt; emitter-appended) ---
"""Pipeline reference for scband-sage-16965120819594 (READ-ONLY COPY).

The authoritative reference and input builder live on the scoring server;
editing this copy changes nothing except your own understanding.
"""

import jax, jax.numpy as jnp
import numpy as np

N0 = 100000
N1 = 10000
N2 = 2048
E0 = 320000
E1 = 65536
D_IN = 128
D_H = 128
D_OUT = 128


def setup_inputs(seed: int = 0) -> dict:
    key = jax.random.key(seed)
    ks = jax.random.split(key, 12)
    x = jax.random.normal(ks[0], (N0, D_IN), dtype=jnp.float32)
    src0 = jax.random.randint(ks[1], (E0,), 0, N0, dtype=jnp.int32)
    dst0 = jnp.sort(jax.random.randint(ks[2], (E0,), 0, N1, dtype=jnp.int32))
    src1 = jax.random.randint(ks[3], (E1,), 0, N1, dtype=jnp.int32)
    dst1 = jnp.sort(jax.random.randint(ks[4], (E1,), 0, N2, dtype=jnp.int32))
    s0 = float(1.0 / np.sqrt(D_IN))
    s1 = float(1.0 / np.sqrt(D_H))
    Wl0 = jax.random.uniform(ks[5], (D_H, D_IN), minval=-s0, maxval=s0, dtype=jnp.float32)
    bl0 = jax.random.uniform(ks[6], (D_H,), minval=-s0, maxval=s0, dtype=jnp.float32)
    Wr0 = jax.random.uniform(ks[7], (D_H, D_IN), minval=-s0, maxval=s0, dtype=jnp.float32)
    Wl1 = jax.random.uniform(ks[8], (D_OUT, D_H), minval=-s1, maxval=s1, dtype=jnp.float32)
    bl1 = jax.random.uniform(ks[9], (D_OUT,), minval=-s1, maxval=s1, dtype=jnp.float32)
    Wr1 = jax.random.uniform(ks[10], (D_OUT, D_H), minval=-s1, maxval=s1, dtype=jnp.float32)
    return {"x": x, "src0": src0, "dst0": dst0, "src1": src1, "dst1": dst1,
            "n1": N1, "n2": N2,
            "Wl0": Wl0, "bl0": bl0, "Wr0": Wr0, "Wl1": Wl1, "bl1": bl1, "Wr1": Wr1}


def _sage_conv(x_src, x_dst, src, dst, num_dst, Wl, bl, Wr):
    # PyG SAGEConv (aggr='mean', root_weight=True): lin_l(mean_j x_j) + lin_r(x_dst)
    msgs = jnp.take(x_src, src, axis=0)
    agg = jax.ops.segment_sum(msgs, dst, num_segments=num_dst)
    cnt = jax.ops.segment_sum(jnp.ones((src.shape[0],), dtype=x_src.dtype), dst, num_segments=num_dst)
    agg = agg / jnp.maximum(cnt, 1.0)[:, None]
    return agg @ Wl.T + bl + x_dst @ Wr.T


def reference(x, src0, dst0, src1, dst1, n1, n2, Wl0, bl0, Wr0, Wl1, bl1, Wr1):
    zero = (jnp.asarray(n1, jnp.int32) - N1 + jnp.asarray(n2, jnp.int32) - N2).astype(x.dtype)
    # layer 0: frontier N0 -> N1 targets
    h = _sage_conv(x, x[:N1], src0, dst0, N1, Wl0, bl0, Wr0)
    h = jax.nn.relu(h)
    # layer 1 (last): frontier N1 -> N2 targets, no relu
    out = _sage_conv(h, h[:N2], src1, dst1, N2, Wl1, bl1, Wr1)
    return out + zero

if __name__ == "__main__":
    import jax
    _d = setup_inputs()
    print(jax.jit(kernel)(*tuple(_d.values())))

</pallas_src>

<mosaic_0001>
#map = affine_map<(d0, d1) -> (0, 0)>
#map1 = affine_map<(d0, d1) -> (0)>
#map2 = affine_map<(d0, d1) -> (0, 0, 0)>
module attributes {stable_mosaic.version = 14 : i64} {
  func.func @k(%arg0: i32, %arg1: i32, %arg2: memref<100000x128xf32, #tpu.memory_space<hbm>>, %arg3: memref<327936xi32, #tpu.memory_space<hbm>>, %arg4: memref<327936xi32, #tpu.memory_space<hbm>>, %arg5: memref<640x128xf32, #tpu.memory_space<hbm>>, %arg6: memref<640xf32, #tpu.memory_space<hbm>>, %arg7: memref<2x10240x128xf32, #tpu.memory_space<hbm>>, %arg8: memref<20480xf32, #tpu.memory_space<hbm>>, %arg9: memref<128xi32, #tpu.memory_space<vmem>>, %arg10: memref<128xi32, #tpu.memory_space<vmem>>, %arg11: memref<128xi32, #tpu.memory_space<vmem>>, %arg12: memref<128xi32, #tpu.memory_space<vmem>>, %arg13: memref<128xi32, #tpu.memory_space<vmem>>, %arg14: memref<128xi32, #tpu.memory_space<vmem>>, %arg15: memref<128xi32, #tpu.memory_space<vmem>>, %arg16: memref<128xi32, #tpu.memory_space<vmem>>, %arg17: memref<2x128x128xf32, #tpu.memory_space<vmem>>, %arg18: memref<128xf32, #tpu.memory_space<vmem>>, %arg19: memref<10240x128xf32, #tpu.memory_space<vmem_shared>>, %arg20: memref<10240xf32, #tpu.memory_space<vmem_shared>>, %arg21: memref<2x!tpu.dma_semaphore, #tpu.memory_space<semaphore_mem>>, %arg22: memref<2x!tpu.dma_semaphore, #tpu.memory_space<semaphore_mem>>, %arg23: memref<2x!tpu.dma_semaphore, #tpu.memory_space<semaphore_mem>>, %arg24: memref<2x!tpu.dma_semaphore, #tpu.memory_space<semaphore_mem>>, %arg25: memref<2x!tpu.dma_semaphore, #tpu.memory_space<semaphore_mem>>) attributes {dimension_semantics = [#tpu.dimension_semantics<core_parallel>, #tpu.dimension_semantics<subcore_parallel>], iteration_bounds = array<i64: 2, 16>, scalar_prefetch = 0 : i64, scratch_operands = 17 : i64, tpu.core_type = #tpu.core_type<sc_vector_subcore>, window_params = [{transform_indices = #map}, {transform_indices = #map1}, {transform_indices = #map1}, {transform_indices = #map}, {transform_indices = #map1}, {transform_indices = #map2}, {transform_indices = #map1}]} {
    %mul3A = arith.constant 2 : i32
    %mul3A_0 = arith.muli %arg1, %mul3A : i32
    %add3A = arith.addi %mul3A_0, %arg0 : i32
    %mul3A_1 = arith.constant 640 : i32
    %mul3A_2 = arith.muli %arg1, %mul3A_1 : i32
    %mul3A_3 = arith.constant 10240 : i32
    %mul3A_4 = arith.muli %add3A, %mul3A_3 : i32
    "tpu.region"() ({
      %run_scoped3A = tpu.sem_alloc : memref<!tpu.dma_semaphore, #tpu.memory_space<semaphore_mem>>
      %dma_start3A = arith.constant 0 : i32
      %dma_start3A_45 = tpu.memref_slice %arg19[%mul3A_2, %dma_start3A] : memref<10240x128xf32, #tpu.memory_space<vmem_shared>> -> memref<640x128xf32, #tpu.memory_space<vmem_shared>>
      %dma_start3A_46 = arith.constant 0 : i32
      %dma_start3A_47 = arith.constant 0 : i32
      %dma_start3A_48 = tpu.memref_slice %arg5[%dma_start3A_46, %dma_start3A_47] : memref<640x128xf32, #tpu.memory_space<hbm>> -> memref<640x128xf32, #tpu.memory_space<hbm>>
      tpu.enqueue_dma source(%dma_start3A_48 : memref<640x128xf32, #tpu.memory_space<hbm>>) target(%dma_start3A_45 : memref<640x128xf32, #tpu.memory_space<vmem_shared>>) target_semaphore(%run_scoped3A : memref<!tpu.dma_semaphore, #tpu.memory_space<semaphore_mem>>)
      %dma_wait3A = arith.constant 0 : i32
      %dma_wait3A_49 = tpu.memref_slice %arg19[%mul3A_2, %dma_wait3A] : memref<10240x128xf32, #tpu.memory_space<vmem_shared>> -> memref<640x128xf32, #tpu.memory_space<vmem_shared>>
      %dma_wait3A_50 = arith.constant 0 : i32
      %dma_wait3A_51 = arith.constant 0 : i32
      %dma_wait3A_52 = tpu.memref_slice %arg5[%dma_wait3A_50, %dma_wait3A_51] : memref<640x128xf32, #tpu.memory_space<hbm>> -> memref<640x128xf32, #tpu.memory_space<hbm>>
      tpu.wait_dma2 semaphore(%run_scoped3A : memref<!tpu.dma_semaphore, #tpu.memory_space<semaphore_mem>>) src(%dma_wait3A_52 : memref<640x128xf32, #tpu.memory_space<hbm>>) dst(%dma_wait3A_49 : memref<640x128xf32, #tpu.memory_space<vmem_shared>>)
      tpu.yield
    }) : () -> ()
    "tpu.region"() ({
      %run_scoped3A = tpu.sem_alloc : memref<!tpu.dma_semaphore, #tpu.memory_space<semaphore_mem>>
      %dma_start3A = tpu.memref_slice %arg20[%mul3A_2] : memref<10240xf32, #tpu.memory_space<vmem_shared>> -> memref<640xf32, #tpu.memory_space<vmem_shared>>
      %dma_start3A_45 = arith.constant 0 : i32
      %dma_start3A_46 = tpu.memref_slice %arg6[%dma_start3A_45] : memref<640xf32, #tpu.memory_space<hbm>> -> memref<640xf32, #tpu.memory_space<hbm>>
      tpu.enqueue_dma source(%dma_start3A_46 : memref<640xf32, #tpu.memory_space<hbm>>) target(%dma_start3A : memref<640xf32, #tpu.memory_space<vmem_shared>>) target_semaphore(%run_scoped3A : memref<!tpu.dma_semaphore, #tpu.memory_space<semaphore_mem>>)
      %dma_wait3A = tpu.memref_slice %arg20[%mul3A_2] : memref<10240xf32, #tpu.memory_space<vmem_shared>> -> memref<640xf32, #tpu.memory_space<vmem_shared>>
      %dma_wait3A_47 = arith.constant 0 : i32
      %dma_wait3A_48 = tpu.memref_slice %arg6[%dma_wait3A_47] : memref<640xf32, #tpu.memory_space<hbm>> -> memref<640xf32, #tpu.memory_space<hbm>>
      tpu.wait_dma2 semaphore(%run_scoped3A : memref<!tpu.dma_semaphore, #tpu.memory_space<semaphore_mem>>) src(%dma_wait3A_48 : memref<640xf32, #tpu.memory_space<hbm>>) dst(%dma_wait3A : memref<640xf32, #tpu.memory_space<vmem_shared>>)
      tpu.yield
    }) : () -> ()
    %broadcast_in_dim3A = arith.constant 1.000000e+00 : f32
    %broadcast_in_dim3A_5 = vector.broadcast %broadcast_in_dim3A : f32 to vector<16xf32>
    %swap3A = arith.constant 0 : index
    %swap3A_6 = tpu.vector_load %arg18[%swap3A] {strides = array<i32>} : memref<128xf32, #tpu.memory_space<vmem>>, vector<16xf32>,
    %swap3A_7 = vector.shape_cast %swap3A_6 : vector<16xf32> to vector<16xf32>
    %swap3A_8 = vector.shape_cast %broadcast_in_dim3A_5 : vector<16xf32> to vector<16xf32>
    tpu.vector_store %arg18[%swap3A], %swap3A_8 {strides = array<i32>} : memref<128xf32, #tpu.memory_space<vmem>>, vector<16xf32>,
    %swap3A_9 = arith.constant 16 : index
    %swap3A_10 = tpu.vector_load %arg18[%swap3A_9] {strides = array<i32>} : memref<128xf32, #tpu.memory_space<vmem>>, vector<16xf32>,
    %swap3A_11 = vector.shape_cast %swap3A_10 : vector<16xf32> to vector<16xf32>
    %swap3A_12 = vector.shape_cast %broadcast_in_dim3A_5 : vector<16xf32> to vector<16xf32>
    tpu.vector_store %arg18[%swap3A_9], %swap3A_12 {strides = array<i32>} : memref<128xf32, #tpu.memory_space<vmem>>, vector<16xf32>,
    %swap3A_13 = arith.constant 32 : index
    %swap3A_14 = tpu.vector_load %arg18[%swap3A_13] {strides = array<i32>} : memref<128xf32, #tpu.memory_space<vmem>>, vector<16xf32>,
    %swap3A_15 = vector.shape_cast %swap3A_14 : vector<16xf32> to vector<16xf32>
    %swap3A_16 = vector.shape_cast %broadcast_in_dim3A_5 : vector<16xf32> to vector<16xf32>
    tpu.vector_store %arg18[%swap3A_13], %swap3A_16 {strides = array<i32>} : memref<128xf32, #tpu.memory_space<vmem>>, vector<16xf32>,
    %swap3A_17 = arith.constant 48 : index
    %swap3A_18 = tpu.vector_load %arg18[%swap3A_17] {strides = array<i32>} : memref<128xf32, #tpu.memory_space<vmem>>, vector<16xf32>,
    %swap3A_19 = vector.shape_cast %swap3A_18 : vector<16xf32> to vector<16xf32>
    %swap3A_20 = vector.shape_cast %broadcast_in_dim3A_5 : vector<16xf32> to vector<16xf32>
    tpu.vector_store %arg18[%swap3A_17], %swap3A_20 {strides = array<i32>} : memref<128xf32, #tpu.memory_space<vmem>>, vector<16xf32>,
    %swap3A_21 = arith.constant 64 : index
    %swap3A_22 = tpu.vector_load %arg18[%swap3A_21] {strides = array<i32>} : memref<128xf32, #tpu.memory_space<vmem>>, vector<16xf32>,
    %swap3A_23 = vector.shape_cast %swap3A_22 : vector<16xf32> to vector<16xf32>
    %swap3A_24 = vector.shape_cast %broadcast_in_dim3A_5 : vector<16xf32> to vector<16xf32>
    tpu.vector_store %arg18[%swap3A_21], %swap3A_24 {strides = array<i32>} : memref<128xf32, #tpu.memory_space<vmem>>, vector<16xf32>,
    %swap3A_25 = arith.constant 80 : index
    %swap3A_26 = tpu.vector_load %arg18[%swap3A_25] {strides = array<i32>} : memref<128xf32, #tpu.memory_space<vmem>>, vector<16xf32>,
    %swap3A_27 = vector.shape_cast %swap3A_26 : vector<16xf32> to vector<16xf32>
    %swap3A_28 = vector.shape_cast %broadcast_in_dim3A_5 : vector<16xf32> to vector<16xf32>
    tpu.vector_store %arg18[%swap3A_25], %swap3A_28 {strides = array<i32>} : memref<128xf32, #tpu.memory_space<vmem>>, vector<16xf32>,
    %swap3A_29 = arith.constant 96 : index
    %swap3A_30 = tpu.vector_load %arg18[%swap3A_29] {strides = array<i32>} : memref<128xf32, #tpu.memory_space<vmem>>, vector<16xf32>,
    %swap3A_31 = vector.shape_cast %swap3A_30 : vector<16xf32> to vector<16xf32>
    %swap3A_32 = vector.shape_cast %broadcast_in_dim3A_5 : vector<16xf32> to vector<16xf32>
    tpu.vector_store %arg18[%swap3A_29], %swap3A_32 {strides = array<i32>} : memref<128xf32, #tpu.memory_space<vmem>>, vector<16xf32>,
    %swap3A_33 = arith.constant 112 : index
    %swap3A_34 = tpu.vector_load %arg18[%swap3A_33] {strides = array<i32>} : memref<128xf32, #tpu.memory_space<vmem>>, vector<16xf32>,
    %swap3A_35 = vector.shape_cast %swap3A_34 : vector<16xf32> to vector<16xf32>
    %swap3A_36 = vector.shape_cast %broadcast_in_dim3A_5 : vector<16xf32> to vector<16xf32>
    tpu.vector_store %arg18[%swap3A_33], %swap3A_36 {strides = array<i32>} : memref<128xf32, #tpu.memory_space<vmem>>, vector<16xf32>,
    %barrier3A = arith.constant 0 : index
    tpu.barrier barrier_id(%barrier3A)
    %scan3A = arith.constant 0 : i32
    %scan3A_37 = arith.constant 80 : i32
    %scan3A_38 = arith.addi %scan3A, %scan3A_37 : i32
    %scan3A_39 = arith.constant 1 : i32
    scf.for %scan3A_45 = %scan3A to %scan3A_38 step %scan3A_39  : i32 {
      %mul3A_46 = arith.constant 1 : i32
      %mul3A_47 = arith.muli %scan3A_45, %mul3A_46 : i32
      %add3A_48 = arith.constant 0 : i32
      %add3A_49 = arith.addi %add3A_48, %mul3A_47 : i32
      %mul3A_50 = arith.constant 128 : i32
      %mul3A_51 = arith.muli %add3A_49, %mul3A_50 : i32
      %add3A_52 = arith.addi %mul3A_4, %mul3A_51 : i32
      %multiple_of3A = tpu.assume_multiple %add3A_52, 128 : i32
      "tpu.region"() ({
        %run_scoped3A_73 = tpu.sem_alloc : memref<!tpu.dma_semaphore, #tpu.memory_space<semaphore_mem>>
        %dma_start3A_74 = tpu.memref_slice %arg3[%multiple_of3A] : memref<327936xi32, #tpu.memory_space<hbm>> -> memref<128xi32, #tpu.memory_space<hbm>>
        %dma_start3A_75 = tpu.memref_slice %arg3[%multiple_of3A] : memref<327936xi32, #tpu.memory_space<hbm>> -> memref<128xi32, #tpu.memory_space<hbm>>
        tpu.enqueue_dma source(%dma_start3A_75 : memref<128xi32, #tpu.memory_space<hbm>>) target(%arg9 : memref<128xi32, #tpu.memory_space<vmem>>) target_semaphore(%run_scoped3A_73 : memref<!tpu.dma_semaphore, #tpu.memory_space<semaphore_mem>>)
        %dma_wait3A_76 = tpu.memref_slice %arg3[%multiple_of3A] : memref<327936xi32, #tpu.memory_space<hbm>> -> memref<128xi32, #tpu.memory_space<hbm>>
        %dma_wait3A_77 = tpu.memref_slice %arg3[%multiple_of3A] : memref<327936xi32, #tpu.memory_space<hbm>> -> memref<128xi32, #tpu.memory_space<hbm>>
        tpu.wait_dma2 semaphore(%run_scoped3A_73 : memref<!tpu.dma_semaphore, #tpu.memory_space<semaphore_mem>>) src(%dma_wait3A_77 : memref<128xi32, #tpu.memory_space<hbm>>) dst(%arg9 : memref<128xi32, #tpu.memory_space<vmem>>)
        tpu.yield
      }) : () -> ()
      "tpu.region"() ({
        %run_scoped3A_73 = tpu.sem_alloc : memref<!tpu.dma_semaphore, #tpu.memory_space<semaphore_mem>>
        %dma_start3A_74 = tpu.memref_slice %arg4[%multiple_of3A] : memref<327936xi32, #tpu.memory_space<hbm>> -> memref<128xi32, #tpu.memory_space<hbm>>
        %dma_start3A_75 = tpu.memref_slice %arg4[%multiple_of3A] : memref<327936xi32, #tpu.memory_space<hbm>> -> memref<128xi32, #tpu.memory_space<hbm>>
        tpu.enqueue_dma source(%dma_start3A_75 : memref<128xi32, #tpu.memory_space<hbm>>) target(%arg13 : memref<128xi32, #tpu.memory_space<vmem>>) target_semaphore(%run_scoped3A_73 : memref<!tpu.dma_semaphore, #tpu.memory_space<semaphore_mem>>)
        %dma_wait3A_76 = tpu.memref_slice %arg4[%multiple_of3A] : memref<327936xi32, #tpu.memory_space<hbm>> -> memref<128xi32, #tpu.memory_space<hbm>>
        %dma_wait3A_77 = tpu.memref_slice %arg4[%multiple_of3A] : memref<327936xi32, #tpu.memory_space<hbm>> -> memref<128xi32, #tpu.memory_space<hbm>>
        tpu.wait_dma2 semaphore(%run_scoped3A_73 : memref<!tpu.dma_semaphore, #tpu.memory_space<semaphore_mem>>) src(%dma_wait3A_77 : memref<128xi32, #tpu.memory_space<hbm>>) dst(%arg13 : memref<128xi32, #tpu.memory_space<vmem>>)
        tpu.yield
      }) : () -> ()
      %dma_start3A = arith.constant 0 : i32
      %dma_start3A_53 = arith.constant 0 : i32
      %dma_start3A_54 = arith.constant 0 : i32
      %dma_start3A_55 = arith.constant 0 : i32
      %dma_start3A_56 = tpu.memref_slice %arg17[%dma_start3A, %dma_start3A_54, %dma_start3A_55] : memref<2x128x128xf32, #tpu.memory_space<vmem>> -> memref<1x128x128xf32, #tpu.memory_space<vmem>>
      %dma_start3A_57 = tpu.memref_squeeze %dma_start3A_56 : memref<1x128x128xf32, #tpu.memory_space<vmem>> -> memref<128x128xf32, #tpu.memory_space<vmem>>
      %dma_start3A_58 = arith.constant 0 : i32
      %dma_start3A_59 = arith.constant 0 : i32
      %dma_start3A_60 = tpu.memref_slice %arg2[%dma_start3A_58, %dma_start3A_59] : memref<100000x128xf32, #tpu.memory_space<hbm>> -> memref<100000x128xf32, #tpu.memory_space<hbm>>
      %dma_start3A_61 = tpu.memref_slice %arg21[%dma_start3A_53] : memref<2x!tpu.dma_semaphore, #tpu.memory_space<semaphore_mem>> -> memref<1x!tpu.dma_semaphore, #tpu.memory_space<semaphore_mem>>
      %dma_start3A_62 = tpu.memref_squeeze %dma_start3A_61 : memref<1x!tpu.dma_semaphore, #tpu.memory_space<semaphore_mem>> -> memref<!tpu.dma_semaphore, #tpu.memory_space<semaphore_mem>>
      tpu.enqueue_indirect_dma source(%dma_start3A_60 : memref<100000x128xf32, #tpu.memory_space<hbm>>) target(%dma_start3A_57 : memref<128x128xf32, #tpu.memory_space<vmem>>) offsets(%arg9 : memref<128xi32, #tpu.memory_space<vmem>>) semaphore(%dma_start3A_62 : memref<!tpu.dma_semaphore, #tpu.memory_space<semaphore_mem>>)
      %dma_wait3A = arith.constant 0 : i32
      %dma_wait3A_63 = arith.constant 0 : i32
      %dma_wait3A_64 = arith.constant 0 : i32
      %dma_wait3A_65 = arith.constant 0 : i32
      %dma_wait3A_66 = tpu.memref_slice %arg17[%dma_wait3A, %dma_wait3A_64, %dma_wait3A_65] : memref<2x128x128xf32, #tpu.memory_space<vmem>> -> memref<1x128x128xf32, #tpu.memory_space<vmem>>
      %dma_wait3A_67 = tpu.memref_squeeze %dma_wait3A_66 : memref<1x128x128xf32, #tpu.memory_space<vmem>> -> memref<128x128xf32, #tpu.memory_space<vmem>>
      %dma_wait3A_68 = arith.constant 0 : i32
      %dma_wait3A_69 = arith.constant 0 : i32
      %dma_wait3A_70 = tpu.memref_slice %arg2[%dma_wait3A_68, %dma_wait3A_69] : memref<100000x128xf32, #tpu.memory_space<hbm>> -> memref<100000x128xf32, #tpu.memory_space<hbm>>
      %dma_wait3A_71 = tpu.memref_slice %arg21[%dma_wait3A_63] : memref<2x!tpu.dma_semaphore, #tpu.memory_space<semaphore_mem>> -> memref<1x!tpu.dma_semaphore, #tpu.memory_space<semaphore_mem>>
      %dma_wait3A_72 = tpu.memref_squeeze %dma_wait3A_71 : memref<1x!tpu.dma_semaphore, #tpu.memory_space<semaphore_mem>> -> memref<!tpu.dma_semaphore, #tpu.memory_space<semaphore_mem>>
      tpu.wait_indirect_dma semaphore(%dma_wait3A_72 : memref<!tpu.dma_semaphore, #tpu.memory_space<semaphore_mem>>) src(%dma_wait3A_70 : memref<100000x128xf32, #tpu.memory_space<hbm>>) dst(%dma_wait3A_67 : memref<128x128xf32, #tpu.memory_space<vmem>>)
      %run_scoped3A = arith.constant 0 : i32
      "tpu.region"() ({
        %run_scoped3A_73 = tpu.sem_alloc : memref<!tpu.dma_semaphore, #tpu.memory_space<semaphore_mem>>
        %dma_start3A_74 = arith.constant 0 : i32
        %dma_start3A_75 = arith.constant 0 : i32
        %dma_start3A_76 = tpu.memref_slice %arg17[%run_scoped3A, %dma_start3A_74, %dma_start3A_75] : memref<2x128x128xf32, #tpu.memory_space<vmem>> -> memref<1x128x128xf32, #tpu.memory_space<vmem>>
        %dma_start3A_77 = tpu.memref_squeeze %dma_start3A_76 : memref<1x128x128xf32, #tpu.memory_space<vmem>> -> memref<128x128xf32, #tpu.memory_space<vmem>>
        %dma_start3A_78 = arith.constant 0 : i32
        %dma_start3A_79 = arith.constant 0 : i32
        %dma_start3A_80 = tpu.memref_slice %arg19[%dma_start3A_78, %dma_start3A_79] : memref<10240x128xf32, #tpu.memory_space<vmem_shared>> -> memref<10240x128xf32, #tpu.memory_space<vmem_shared>>
        tpu.enqueue_indirect_dma source(%dma_start3A_77 : memref<128x128xf32, #tpu.memory_space<vmem>>) target(%dma_start3A_80 : memref<10240x128xf32, #tpu.memory_space<vmem_shared>>) offsets(%arg13 : memref<128xi32, #tpu.memory_space<vmem>>) semaphore(%run_scoped3A_73 : memref<!tpu.dma_semaphore, #tpu.memory_space<semaphore_mem>>) {add = true}
        %dma_wait3A_81 = arith.constant 0 : i32
        %dma_wait3A_82 = arith.constant 0 : i32
        %dma_wait3A_83 = tpu.memref_slice %arg17[%run_scoped3A, %dma_wait3A_81, %dma_wait3A_82] : memref<2x128x128xf32, #tpu.memory_space<vmem>> -> memref<1x128x128xf32, #tpu.memory_space<vmem>>
        %dma_wait3A_84 = tpu.memref_squeeze %dma_wait3A_83 : memref<1x128x128xf32, #tpu.memory_space<vmem>> -> memref<128x128xf32, #tpu.memory_space<vmem>>
        %dma_wait3A_85 = arith.constant 0 : i32
        %dma_wait3A_86 = arith.constant 0 : i32
        %dma_wait3A_87 = tpu.memref_slice %arg19[%dma_wait3A_85, %dma_wait3A_86] : memref<10240x128xf32, #tpu.memory_space<vmem_shared>> -> memref<10240x128xf32, #tpu.memory_space<vmem_shared>>
        tpu.wait_indirect_dma semaphore(%run_scoped3A_73 : memref<!tpu.dma_semaphore, #tpu.memory_space<semaphore_mem>>) src(%dma_wait3A_84 : memref<128x128xf32, #tpu.memory_space<vmem>>) dst(%dma_wait3A_87 : memref<10240x128xf32, #tpu.memory_space<vmem_shared>>)
        tpu.yield
      }) : () -> ()
      "tpu.region"() ({
        %run_scoped3A_73 = tpu.sem_alloc : memref<!tpu.dma_semaphore, #tpu.memory_space<semaphore_mem>>
        %dma_start3A_74 = arith.constant 0 : i32
        %dma_start3A_75 = tpu.memref_slice %arg20[%dma_start3A_74] : memref<10240xf32, #tpu.memory_space<vmem_shared>> -> memref<10240xf32, #tpu.memory_space<vmem_shared>>
        tpu.enqueue_indirect_dma source(%arg18 : memref<128xf32, #tpu.memory_space<vmem>>) target(%dma_start3A_75 : memref<10240xf32, #tpu.memory_space<vmem_shared>>) offsets(%arg13 : memref<128xi32, #tpu.memory_space<vmem>>) semaphore(%run_scoped3A_73 : memref<!tpu.dma_semaphore, #tpu.memory_space<semaphore_mem>>) {add = true}
        %dma_wait3A_76 = arith.constant 0 : i32
        %dma_wait3A_77 = tpu.memref_slice %arg20[%dma_wait3A_76] : memref<10240xf32, #tpu.memory_space<vmem_shared>> -> memref<10240xf32, #tpu.memory_space<vmem_shared>>
        tpu.wait_indirect_dma semaphore(%run_scoped3A_73 : memref<!tpu.dma_semaphore, #tpu.memory_space<semaphore_mem>>) src(%arg18 : memref<128xf32, #tpu.memory_space<vmem>>) dst(%dma_wait3A_77 : memref<10240xf32, #tpu.memory_space<vmem_shared>>)
        tpu.yield
      }) : () -> ()
    }
    %scan3A_40 = arith.constant 80 : i32
    %barrier3A_41 = arith.constant 0 : index
    tpu.barrier barrier_id(%barrier3A_41)
    "tpu.region"() ({
      %run_scoped3A = tpu.sem_alloc : memref<!tpu.dma_semaphore, #tpu.memory_space<semaphore_mem>>
      %dma_start3A = arith.constant 0 : i32
      %dma_start3A_45 = tpu.memref_slice %arg7[%arg0, %mul3A_2, %dma_start3A] : memref<2x10240x128xf32, #tpu.memory_space<hbm>> -> memref<1x640x128xf32, #tpu.memory_space<hbm>>
      %dma_start3A_46 = tpu.memref_squeeze %dma_start3A_45 : memref<1x640x128xf32, #tpu.memory_space<hbm>> -> memref<640x128xf32, #tpu.memory_space<hbm>>
      %dma_start3A_47 = arith.constant 0 : i32
      %dma_start3A_48 = tpu.memref_slice %arg19[%mul3A_2, %dma_start3A_47] : memref<10240x128xf32, #tpu.memory_space<vmem_shared>> -> memref<640x128xf32, #tpu.memory_space<vmem_shared>>
      tpu.enqueue_dma source(%dma_start3A_48 : memref<640x128xf32, #tpu.memory_space<vmem_shared>>) target(%dma_start3A_46 : memref<640x128xf32, #tpu.memory_space<hbm>>) target_semaphore(%run_scoped3A : memref<!tpu.dma_semaphore, #tpu.memory_space<semaphore_mem>>)
      %dma_wait3A = arith.constant 0 : i32
      %dma_wait3A_49 = tpu.memref_slice %arg7[%arg0, %mul3A_2, %dma_wait3A] : memref<2x10240x128xf32, #tpu.memory_space<hbm>> -> memref<1x640x128xf32, #tpu.memory_space<hbm>>
      %dma_wait3A_50 = tpu.memref_squeeze %dma_wait3A_49 : memref<1x640x128xf32, #tpu.memory_space<hbm>> -> memref<640x128xf32, #tpu.memory_space<hbm>>
      %dma_wait3A_51 = arith.constant 0 : i32
      %dma_wait3A_52 = tpu.memref_slice %arg19[%mul3A_2, %dma_wait3A_51] : memref<10240x128xf32, #tpu.memory_space<vmem_shared>> -> memref<640x128xf32, #tpu.memory_space<vmem_shared>>
      tpu.wait_dma2 semaphore(%run_scoped3A : memref<!tpu.dma_semaphore, #tpu.memory_space<semaphore_mem>>) src(%dma_wait3A_52 : memref<640x128xf32, #tpu.memory_space<vmem_shared>>) dst(%dma_wait3A_50 : memref<640x128xf32, #tpu.memory_space<hbm>>)
      tpu.yield
    }) : () -> ()
    %mul3A_42 = arith.constant 10240 : i32
    %mul3A_43 = arith.muli %arg0, %mul3A_42 : i32
    %add3A_44 = arith.addi %mul3A_43, %mul3A_2 : i32
    "tpu.region"() ({
      %run_scoped3A = tpu.sem_alloc : memref<!tpu.dma_semaphore, #tpu.memory_space<semaphore_mem>>
      %dma_start3A = tpu.memref_slice %arg8[%add3A_44] : memref<20480xf32, #tpu.memory_space<hbm>> -> memref<640xf32, #tpu.memory_space<hbm>>
      %dma_start3A_45 = tpu.memref_slice %arg20[%mul3A_2] : memref<10240xf32, #tpu.memory_space<vmem_shared>> -> memref<640xf32, #tpu.memory_space<vmem_shared>>
      tpu.enqueue_dma source(%dma_start3A_45 : memref<640xf32, #tpu.memory_space<vmem_shared>>) target(%dma_start3A : memref<640xf32, #tpu.memory_space<hbm>>) target_semaphore(%run_scoped3A : memref<!tpu.dma_semaphore, #tpu.memory_space<semaphore_mem>>)
      %dma_wait3A = tpu.memref_slice %arg8[%add3A_44] : memref<20480xf32, #tpu.memory_space<hbm>> -> memref<640xf32, #tpu.memory_space<hbm>>
      %dma_wait3A_46 = tpu.memref_slice %arg20[%mul3A_2] : memref<10240xf32, #tpu.memory_space<vmem_shared>> -> memref<640xf32, #tpu.memory_space<vmem_shared>>
      tpu.wait_dma2 semaphore(%run_scoped3A : memref<!tpu.dma_semaphore, #tpu.memory_space<semaphore_mem>>) src(%dma_wait3A_46 : memref<640xf32, #tpu.memory_space<vmem_shared>>) dst(%dma_wait3A : memref<640xf32, #tpu.memory_space<hbm>>)
      tpu.yield
    }) : () -> ()
    return
  }
}

#map = affine_map<(d0, d1) -> (0, 0)>
#map1 = affine_map<(d0, d1) -> (0)>
#map2 = affine_map<(d0, d1) -> (0, 0, 0)>
module attributes {stable_mosaic.version = 14 : i64} {
  func.func @k(%arg0: i32, %arg1: i32, %arg2: memref<10240x128xf32, #tpu.memory_space<hbm>>, %arg3: memref<65792xi32, #tpu.memory_space<hbm>>, %arg4: memref<65792xi32, #tpu.memory_space<hbm>>, %arg5: memref<640x128xf32, #tpu.memory_space<hbm>>, %arg6: memref<640xf32, #tpu.memory_space<hbm>>, %arg7: memref<2x2048x128xf32, #tpu.memory_space<hbm>>, %arg8: memref<4096xf32, #tpu.memory_space<hbm>>, %arg9: memref<128xi32, #tpu.memory_space<vmem>>, %arg10: memref<128xi32, #tpu.memory_space<vmem>>, %arg11: memref<128xi32, #tpu.memory_space<vmem>>, %arg12: memref<128xi32, #tpu.memory_space<vmem>>, %arg13: memref<128xi32, #tpu.memory_space<vmem>>, %arg14: memref<128xi32, #tpu.memory_space<vmem>>, %arg15: memref<128xi32, #tpu.memory_space<vmem>>, %arg16: memref<128xi32, #tpu.memory_space<vmem>>, %arg17: memref<2x128x128xf32, #tpu.memory_space<vmem>>, %arg18: memref<128xf32, #tpu.memory_space<vmem>>, %arg19: memref<2048x128xf32, #tpu.memory_space<vmem_shared>>, %arg20: memref<2048xf32, #tpu.memory_space<vmem_shared>>, %arg21: memref<2x!tpu.dma_semaphore, #tpu.memory_space<semaphore_mem>>, %arg22: memref<2x!tpu.dma_semaphore, #tpu.memory_space<semaphore_mem>>, %arg23: memref<2x!tpu.dma_semaphore, #tpu.memory_space<semaphore_mem>>, %arg24: memref<2x!tpu.dma_semaphore, #tpu.memory_space<semaphore_mem>>, %arg25: memref<2x!tpu.dma_semaphore, #tpu.memory_space<semaphore_mem>>) attributes {dimension_semantics = [#tpu.dimension_semantics<core_parallel>, #tpu.dimension_semantics<subcore_parallel>], iteration_bounds = array<i64: 2, 16>, scalar_prefetch = 0 : i64, scratch_operands = 17 : i64, tpu.core_type = #tpu.core_type<sc_vector_subcore>, window_params = [{transform_indices = #map}, {transform_indices = #map1}, {transform_indices = #map1}, {transform_indices = #map}, {transform_indices = #map1}, {transform_indices = #map2}, {transform_indices = #map1}]} {
    %mul3A = arith.constant 2 : i32
    %mul3A_0 = arith.muli %arg1, %mul3A : i32
    %add3A = arith.addi %mul3A_0, %arg0 : i32
    %mul3A_1 = arith.constant 128 : i32
    %mul3A_2 = arith.muli %arg1, %mul3A_1 : i32
    %mul3A_3 = arith.constant 2048 : i32
    %mul3A_4 = arith.muli %add3A, %mul3A_3 : i32
    "tpu.region"() ({
      %run_scoped3A = tpu.sem_alloc : memref<!tpu.dma_semaphore, #tpu.memory_space<semaphore_mem>>
      %dma_start3A = arith.constant 0 : i32
      %dma_start3A_45 = tpu.memref_slice %arg19[%mul3A_2, %dma_start3A] : memref<2048x128xf32, #tpu.memory_space<vmem_shared>> -> memref<128x128xf32, #tpu.memory_space<vmem_shared>>
      %dma_start3A_46 = arith.constant 0 : i32
      %dma_start3A_47 = arith.constant 0 : i32
      %dma_start3A_48 = tpu.memref_slice %arg5[%dma_start3A_46, %dma_start3A_47] : memref<640x128xf32, #tpu.memory_space<hbm>> -> memref<128x128xf32, #tpu.memory_space<hbm>>
      tpu.enqueue_dma source(%dma_start3A_48 : memref<128x128xf32, #tpu.memory_space<hbm>>) target(%dma_start3A_45 : memref<128x128xf32, #tpu.memory_space<vmem_shared>>) target_semaphore(%run_scoped3A : memref<!tpu.dma_semaphore, #tpu.memory_space<semaphore_mem>>)
      %dma_wait3A = arith.constant 0 : i32
      %dma_wait3A_49 = tpu.memref_slice %arg19[%mul3A_2, %dma_wait3A] : memref<2048x128xf32, #tpu.memory_space<vmem_shared>> -> memref<128x128xf32, #tpu.memory_space<vmem_shared>>
      %dma_wait3A_50 = arith.constant 0 : i32
      %dma_wait3A_51 = arith.constant 0 : i32
      %dma_wait3A_52 = tpu.memref_slice %arg5[%dma_wait3A_50, %dma_wait3A_51] : memref<640x128xf32, #tpu.memory_space<hbm>> -> memref<128x128xf32, #tpu.memory_space<hbm>>
      tpu.wait_dma2 semaphore(%run_scoped3A : memref<!tpu.dma_semaphore, #tpu.memory_space<semaphore_mem>>) src(%dma_wait3A_52 : memref<128x128xf32, #tpu.memory_space<hbm>>) dst(%dma_wait3A_49 : memref<128x128xf32, #tpu.memory_space<vmem_shared>>)
      tpu.yield
    }) : () -> ()
    "tpu.region"() ({
      %run_scoped3A = tpu.sem_alloc : memref<!tpu.dma_semaphore, #tpu.memory_space<semaphore_mem>>
      %dma_start3A = tpu.memref_slice %arg20[%mul3A_2] : memref<2048xf32, #tpu.memory_space<vmem_shared>> -> memref<128xf32, #tpu.memory_space<vmem_shared>>
      %dma_start3A_45 = arith.constant 0 : i32
      %dma_start3A_46 = tpu.memref_slice %arg6[%dma_start3A_45] : memref<640xf32, #tpu.memory_space<hbm>> -> memref<128xf32, #tpu.memory_space<hbm>>
      tpu.enqueue_dma source(%dma_start3A_46 : memref<128xf32, #tpu.memory_space<hbm>>) target(%dma_start3A : memref<128xf32, #tpu.memory_space<vmem_shared>>) target_semaphore(%run_scoped3A : memref<!tpu.dma_semaphore, #tpu.memory_space<semaphore_mem>>)
      %dma_wait3A = tpu.memref_slice %arg20[%mul3A_2] : memref<2048xf32, #tpu.memory_space<vmem_shared>> -> memref<128xf32, #tpu.memory_space<vmem_shared>>
      %dma_wait3A_47 = arith.constant 0 : i32
      %dma_wait3A_48 = tpu.memref_slice %arg6[%dma_wait3A_47] : memref<640xf32, #tpu.memory_space<hbm>> -> memref<128xf32, #tpu.memory_space<hbm>>
      tpu.wait_dma2 semaphore(%run_scoped3A : memref<!tpu.dma_semaphore, #tpu.memory_space<semaphore_mem>>) src(%dma_wait3A_48 : memref<128xf32, #tpu.memory_space<hbm>>) dst(%dma_wait3A : memref<128xf32, #tpu.memory_space<vmem_shared>>)
      tpu.yield
    }) : () -> ()
    %broadcast_in_dim3A = arith.constant 1.000000e+00 : f32
    %broadcast_in_dim3A_5 = vector.broadcast %broadcast_in_dim3A : f32 to vector<16xf32>
    %swap3A = arith.constant 0 : index
    %swap3A_6 = tpu.vector_load %arg18[%swap3A] {strides = array<i32>} : memref<128xf32, #tpu.memory_space<vmem>>, vector<16xf32>,
    %swap3A_7 = vector.shape_cast %swap3A_6 : vector<16xf32> to vector<16xf32>
    %swap3A_8 = vector.shape_cast %broadcast_in_dim3A_5 : vector<16xf32> to vector<16xf32>
    tpu.vector_store %arg18[%swap3A], %swap3A_8 {strides = array<i32>} : memref<128xf32, #tpu.memory_space<vmem>>, vector<16xf32>,
    %swap3A_9 = arith.constant 16 : index
    %swap3A_10 = tpu.vector_load %arg18[%swap3A_9] {strides = array<i32>} : memref<128xf32, #tpu.memory_space<vmem>>, vector<16xf32>,
    %swap3A_11 = vector.shape_cast %swap3A_10 : vector<16xf32> to vector<16xf32>
    %swap3A_12 = vector.shape_cast %broadcast_in_dim3A_5 : vector<16xf32> to vector<16xf32>
    tpu.vector_store %arg18[%swap3A_9], %swap3A_12 {strides = array<i32>} : memref<128xf32, #tpu.memory_space<vmem>>, vector<16xf32>,
    %swap3A_13 = arith.constant 32 : index
    %swap3A_14 = tpu.vector_load %arg18[%swap3A_13] {strides = array<i32>} : memref<128xf32, #tpu.memory_space<vmem>>, vector<16xf32>,
    %swap3A_15 = vector.shape_cast %swap3A_14 : vector<16xf32> to vector<16xf32>
    %swap3A_16 = vector.shape_cast %broadcast_in_dim3A_5 : vector<16xf32> to vector<16xf32>
    tpu.vector_store %arg18[%swap3A_13], %swap3A_16 {strides = array<i32>} : memref<128xf32, #tpu.memory_space<vmem>>, vector<16xf32>,
    %swap3A_17 = arith.constant 48 : index
    %swap3A_18 = tpu.vector_load %arg18[%swap3A_17] {strides = array<i32>} : memref<128xf32, #tpu.memory_space<vmem>>, vector<16xf32>,
    %swap3A_19 = vector.shape_cast %swap3A_18 : vector<16xf32> to vector<16xf32>
    %swap3A_20 = vector.shape_cast %broadcast_in_dim3A_5 : vector<16xf32> to vector<16xf32>
    tpu.vector_store %arg18[%swap3A_17], %swap3A_20 {strides = array<i32>} : memref<128xf32, #tpu.memory_space<vmem>>, vector<16xf32>,
    %swap3A_21 = arith.constant 64 : index
    %swap3A_22 = tpu.vector_load %arg18[%swap3A_21] {strides = array<i32>} : memref<128xf32, #tpu.memory_space<vmem>>, vector<16xf32>,
    %swap3A_23 = vector.shape_cast %swap3A_22 : vector<16xf32> to vector<16xf32>
    %swap3A_24 = vector.shape_cast %broadcast_in_dim3A_5 : vector<16xf32> to vector<16xf32>
    tpu.vector_store %arg18[%swap3A_21], %swap3A_24 {strides = array<i32>} : memref<128xf32, #tpu.memory_space<vmem>>, vector<16xf32>,
    %swap3A_25 = arith.constant 80 : index
    %swap3A_26 = tpu.vector_load %arg18[%swap3A_25] {strides = array<i32>} : memref<128xf32, #tpu.memory_space<vmem>>, vector<16xf32>,
    %swap3A_27 = vector.shape_cast %swap3A_26 : vector<16xf32> to vector<16xf32>
    %swap3A_28 = vector.shape_cast %broadcast_in_dim3A_5 : vector<16xf32> to vector<16xf32>
    tpu.vector_store %arg18[%swap3A_25], %swap3A_28 {strides = array<i32>} : memref<128xf32, #tpu.memory_space<vmem>>, vector<16xf32>,
    %swap3A_29 = arith.constant 96 : index
    %swap3A_30 = tpu.vector_load %arg18[%swap3A_29] {strides = array<i32>} : memref<128xf32, #tpu.memory_space<vmem>>, vector<16xf32>,
    %swap3A_31 = vector.shape_cast %swap3A_30 : vector<16xf32> to vector<16xf32>
    %swap3A_32 = vector.shape_cast %broadcast_in_dim3A_5 : vector<16xf32> to vector<16xf32>
    tpu.vector_store %arg18[%swap3A_29], %swap3A_32 {strides = array<i32>} : memref<128xf32, #tpu.memory_space<vmem>>, vector<16xf32>,
    %swap3A_33 = arith.constant 112 : index
    %swap3A_34 = tpu.vector_load %arg18[%swap3A_33] {strides = array<i32>} : memref<128xf32, #tpu.memory_space<vmem>>, vector<16xf32>,
    %swap3A_35 = vector.shape_cast %swap3A_34 : vector<16xf32> to vector<16xf32>
    %swap3A_36 = vector.shape_cast %broadcast_in_dim3A_5 : vector<16xf32> to vector<16xf32>
    tpu.vector_store %arg18[%swap3A_33], %swap3A_36 {strides = array<i32>} : memref<128xf32, #tpu.memory_space<vmem>>, vector<16xf32>,
    %barrier3A = arith.constant 0 : index
    tpu.barrier barrier_id(%barrier3A)
    %scan3A = arith.constant 0 : i32
    %scan3A_37 = arith.constant 16 : i32
    %scan3A_38 = arith.addi %scan3A, %scan3A_37 : i32
    %scan3A_39 = arith.constant 1 : i32
    scf.for %scan3A_45 = %scan3A to %scan3A_38 step %scan3A_39  : i32 {
      %mul3A_46 = arith.constant 1 : i32
      %mul3A_47 = arith.muli %scan3A_45, %mul3A_46 : i32
      %add3A_48 = arith.constant 0 : i32
      %add3A_49 = arith.addi %add3A_48, %mul3A_47 : i32
      %mul3A_50 = arith.constant 128 : i32
      %mul3A_51 = arith.muli %add3A_49, %mul3A_50 : i32
      %add3A_52 = arith.addi %mul3A_4, %mul3A_51 : i32
      %multiple_of3A = tpu.assume_multiple %add3A_52, 128 : i32
      "tpu.region"() ({
        %run_scoped3A_73 = tpu.sem_alloc : memref<!tpu.dma_semaphore, #tpu.memory_space<semaphore_mem>>
        %dma_start3A_74 = tpu.memref_slice %arg3[%multiple_of3A] : memref<65792xi32, #tpu.memory_space<hbm>> -> memref<128xi32, #tpu.memory_space<hbm>>
        %dma_start3A_75 = tpu.memref_slice %arg3[%multiple_of3A] : memref<65792xi32, #tpu.memory_space<hbm>> -> memref<128xi32, #tpu.memory_space<hbm>>
        tpu.enqueue_dma source(%dma_start3A_75 : memref<128xi32, #tpu.memory_space<hbm>>) target(%arg9 : memref<128xi32, #tpu.memory_space<vmem>>) target_semaphore(%run_scoped3A_73 : memref<!tpu.dma_semaphore, #tpu.memory_space<semaphore_mem>>)
        %dma_wait3A_76 = tpu.memref_slice %arg3[%multiple_of3A] : memref<65792xi32, #tpu.memory_space<hbm>> -> memref<128xi32, #tpu.memory_space<hbm>>
        %dma_wait3A_77 = tpu.memref_slice %arg3[%multiple_of3A] : memref<65792xi32, #tpu.memory_space<hbm>> -> memref<128xi32, #tpu.memory_space<hbm>>
        tpu.wait_dma2 semaphore(%run_scoped3A_73 : memref<!tpu.dma_semaphore, #tpu.memory_space<semaphore_mem>>) src(%dma_wait3A_77 : memref<128xi32, #tpu.memory_space<hbm>>) dst(%arg9 : memref<128xi32, #tpu.memory_space<vmem>>)
        tpu.yield
      }) : () -> ()
      "tpu.region"() ({
        %run_scoped3A_73 = tpu.sem_alloc : memref<!tpu.dma_semaphore, #tpu.memory_space<semaphore_mem>>
        %dma_start3A_74 = tpu.memref_slice %arg4[%multiple_of3A] : memref<65792xi32, #tpu.memory_space<hbm>> -> memref<128xi32, #tpu.memory_space<hbm>>
        %dma_start3A_75 = tpu.memref_slice %arg4[%multiple_of3A] : memref<65792xi32, #tpu.memory_space<hbm>> -> memref<128xi32, #tpu.memory_space<hbm>>
        tpu.enqueue_dma source(%dma_start3A_75 : memref<128xi32, #tpu.memory_space<hbm>>) target(%arg13 : memref<128xi32, #tpu.memory_space<vmem>>) target_semaphore(%run_scoped3A_73 : memref<!tpu.dma_semaphore, #tpu.memory_space<semaphore_mem>>)
        %dma_wait3A_76 = tpu.memref_slice %arg4[%multiple_of3A] : memref<65792xi32, #tpu.memory_space<hbm>> -> memref<128xi32, #tpu.memory_space<hbm>>
        %dma_wait3A_77 = tpu.memref_slice %arg4[%multiple_of3A] : memref<65792xi32, #tpu.memory_space<hbm>> -> memref<128xi32, #tpu.memory_space<hbm>>
        tpu.wait_dma2 semaphore(%run_scoped3A_73 : memref<!tpu.dma_semaphore, #tpu.memory_space<semaphore_mem>>) src(%dma_wait3A_77 : memref<128xi32, #tpu.memory_space<hbm>>) dst(%arg13 : memref<128xi32, #tpu.memory_space<vmem>>)
        tpu.yield
      }) : () -> ()
      %dma_start3A = arith.constant 0 : i32
      %dma_start3A_53 = arith.constant 0 : i32
      %dma_start3A_54 = arith.constant 0 : i32
      %dma_start3A_55 = arith.constant 0 : i32
      %dma_start3A_56 = tpu.memref_slice %arg17[%dma_start3A, %dma_start3A_54, %dma_start3A_55] : memref<2x128x128xf32, #tpu.memory_space<vmem>> -> memref<1x128x128xf32, #tpu.memory_space<vmem>>
      %dma_start3A_57 = tpu.memref_squeeze %dma_start3A_56 : memref<1x128x128xf32, #tpu.memory_space<vmem>> -> memref<128x128xf32, #tpu.memory_space<vmem>>
      %dma_start3A_58 = arith.constant 0 : i32
      %dma_start3A_59 = arith.constant 0 : i32
      %dma_start3A_60 = tpu.memref_slice %arg2[%dma_start3A_58, %dma_start3A_59] : memref<10240x128xf32, #tpu.memory_space<hbm>> -> memref<10240x128xf32, #tpu.memory_space<hbm>>
      %dma_start3A_61 = tpu.memref_slice %arg21[%dma_start3A_53] : memref<2x!tpu.dma_semaphore, #tpu.memory_space<semaphore_mem>> -> memref<1x!tpu.dma_semaphore, #tpu.memory_space<semaphore_mem>>
      %dma_start3A_62 = tpu.memref_squeeze %dma_start3A_61 : memref<1x!tpu.dma_semaphore, #tpu.memory_space<semaphore_mem>> -> memref<!tpu.dma_semaphore, #tpu.memory_space<semaphore_mem>>
      tpu.enqueue_indirect_dma source(%dma_start3A_60 : memref<10240x128xf32, #tpu.memory_space<hbm>>) target(%dma_start3A_57 : memref<128x128xf32, #tpu.memory_space<vmem>>) offsets(%arg9 : memref<128xi32, #tpu.memory_space<vmem>>) semaphore(%dma_start3A_62 : memref<!tpu.dma_semaphore, #tpu.memory_space<semaphore_mem>>)
      %dma_wait3A = arith.constant 0 : i32
      %dma_wait3A_63 = arith.constant 0 : i32
      %dma_wait3A_64 = arith.constant 0 : i32
      %dma_wait3A_65 = arith.constant 0 : i32
      %dma_wait3A_66 = tpu.memref_slice %arg17[%dma_wait3A, %dma_wait3A_64, %dma_wait3A_65] : memref<2x128x128xf32, #tpu.memory_space<vmem>> -> memref<1x128x128xf32, #tpu.memory_space<vmem>>
      %dma_wait3A_67 = tpu.memref_squeeze %dma_wait3A_66 : memref<1x128x128xf32, #tpu.memory_space<vmem>> -> memref<128x128xf32, #tpu.memory_space<vmem>>
      %dma_wait3A_68 = arith.constant 0 : i32
      %dma_wait3A_69 = arith.constant 0 : i32
      %dma_wait3A_70 = tpu.memref_slice %arg2[%dma_wait3A_68, %dma_wait3A_69] : memref<10240x128xf32, #tpu.memory_space<hbm>> -> memref<10240x128xf32, #tpu.memory_space<hbm>>
      %dma_wait3A_71 = tpu.memref_slice %arg21[%dma_wait3A_63] : memref<2x!tpu.dma_semaphore, #tpu.memory_space<semaphore_mem>> -> memref<1x!tpu.dma_semaphore, #tpu.memory_space<semaphore_mem>>
      %dma_wait3A_72 = tpu.memref_squeeze %dma_wait3A_71 : memref<1x!tpu.dma_semaphore, #tpu.memory_space<semaphore_mem>> -> memref<!tpu.dma_semaphore, #tpu.memory_space<semaphore_mem>>
      tpu.wait_indirect_dma semaphore(%dma_wait3A_72 : memref<!tpu.dma_semaphore, #tpu.memory_space<semaphore_mem>>) src(%dma_wait3A_70 : memref<10240x128xf32, #tpu.memory_space<hbm>>) dst(%dma_wait3A_67 : memref<128x128xf32, #tpu.memory_space<vmem>>)
      %run_scoped3A = arith.constant 0 : i32
      "tpu.region"() ({
        %run_scoped3A_73 = tpu.sem_alloc : memref<!tpu.dma_semaphore, #tpu.memory_space<semaphore_mem>>
        %dma_start3A_74 = arith.constant 0 : i32
        %dma_start3A_75 = arith.constant 0 : i32
        %dma_start3A_76 = tpu.memref_slice %arg17[%run_scoped3A, %dma_start3A_74, %dma_start3A_75] : memref<2x128x128xf32, #tpu.memory_space<vmem>> -> memref<1x128x128xf32, #tpu.memory_space<vmem>>
        %dma_start3A_77 = tpu.memref_squeeze %dma_start3A_76 : memref<1x128x128xf32, #tpu.memory_space<vmem>> -> memref<128x128xf32, #tpu.memory_space<vmem>>
        %dma_start3A_78 = arith.constant 0 : i32
        %dma_start3A_79 = arith.constant 0 : i32
        %dma_start3A_80 = tpu.memref_slice %arg19[%dma_start3A_78, %dma_start3A_79] : memref<2048x128xf32, #tpu.memory_space<vmem_shared>> -> memref<2048x128xf32, #tpu.memory_space<vmem_shared>>
        tpu.enqueue_indirect_dma source(%dma_start3A_77 : memref<128x128xf32, #tpu.memory_space<vmem>>) target(%dma_start3A_80 : memref<2048x128xf32, #tpu.memory_space<vmem_shared>>) offsets(%arg13 : memref<128xi32, #tpu.memory_space<vmem>>) semaphore(%run_scoped3A_73 : memref<!tpu.dma_semaphore, #tpu.memory_space<semaphore_mem>>) {add = true}
        %dma_wait3A_81 = arith.constant 0 : i32
        %dma_wait3A_82 = arith.constant 0 : i32
        %dma_wait3A_83 = tpu.memref_slice %arg17[%run_scoped3A, %dma_wait3A_81, %dma_wait3A_82] : memref<2x128x128xf32, #tpu.memory_space<vmem>> -> memref<1x128x128xf32, #tpu.memory_space<vmem>>
        %dma_wait3A_84 = tpu.memref_squeeze %dma_wait3A_83 : memref<1x128x128xf32, #tpu.memory_space<vmem>> -> memref<128x128xf32, #tpu.memory_space<vmem>>
        %dma_wait3A_85 = arith.constant 0 : i32
        %dma_wait3A_86 = arith.constant 0 : i32
        %dma_wait3A_87 = tpu.memref_slice %arg19[%dma_wait3A_85, %dma_wait3A_86] : memref<2048x128xf32, #tpu.memory_space<vmem_shared>> -> memref<2048x128xf32, #tpu.memory_space<vmem_shared>>
        tpu.wait_indirect_dma semaphore(%run_scoped3A_73 : memref<!tpu.dma_semaphore, #tpu.memory_space<semaphore_mem>>) src(%dma_wait3A_84 : memref<128x128xf32, #tpu.memory_space<vmem>>) dst(%dma_wait3A_87 : memref<2048x128xf32, #tpu.memory_space<vmem_shared>>)
        tpu.yield
      }) : () -> ()
      "tpu.region"() ({
        %run_scoped3A_73 = tpu.sem_alloc : memref<!tpu.dma_semaphore, #tpu.memory_space<semaphore_mem>>
        %dma_start3A_74 = arith.constant 0 : i32
        %dma_start3A_75 = tpu.memref_slice %arg20[%dma_start3A_74] : memref<2048xf32, #tpu.memory_space<vmem_shared>> -> memref<2048xf32, #tpu.memory_space<vmem_shared>>
        tpu.enqueue_indirect_dma source(%arg18 : memref<128xf32, #tpu.memory_space<vmem>>) target(%dma_start3A_75 : memref<2048xf32, #tpu.memory_space<vmem_shared>>) offsets(%arg13 : memref<128xi32, #tpu.memory_space<vmem>>) semaphore(%run_scoped3A_73 : memref<!tpu.dma_semaphore, #tpu.memory_space<semaphore_mem>>) {add = true}
        %dma_wait3A_76 = arith.constant 0 : i32
        %dma_wait3A_77 = tpu.memref_slice %arg20[%dma_wait3A_76] : memref<2048xf32, #tpu.memory_space<vmem_shared>> -> memref<2048xf32, #tpu.memory_space<vmem_shared>>
        tpu.wait_indirect_dma semaphore(%run_scoped3A_73 : memref<!tpu.dma_semaphore, #tpu.memory_space<semaphore_mem>>) src(%arg18 : memref<128xf32, #tpu.memory_space<vmem>>) dst(%dma_wait3A_77 : memref<2048xf32, #tpu.memory_space<vmem_shared>>)
        tpu.yield
      }) : () -> ()
    }
    %scan3A_40 = arith.constant 16 : i32
    %barrier3A_41 = arith.constant 0 : index
    tpu.barrier barrier_id(%barrier3A_41)
    "tpu.region"() ({
      %run_scoped3A = tpu.sem_alloc : memref<!tpu.dma_semaphore, #tpu.memory_space<semaphore_mem>>
      %dma_start3A = arith.constant 0 : i32
      %dma_start3A_45 = tpu.memref_slice %arg7[%arg0, %mul3A_2, %dma_start3A] : memref<2x2048x128xf32, #tpu.memory_space<hbm>> -> memref<1x128x128xf32, #tpu.memory_space<hbm>>
      %dma_start3A_46 = tpu.memref_squeeze %dma_start3A_45 : memref<1x128x128xf32, #tpu.memory_space<hbm>> -> memref<128x128xf32, #tpu.memory_space<hbm>>
      %dma_start3A_47 = arith.constant 0 : i32
      %dma_start3A_48 = tpu.memref_slice %arg19[%mul3A_2, %dma_start3A_47] : memref<2048x128xf32, #tpu.memory_space<vmem_shared>> -> memref<128x128xf32, #tpu.memory_space<vmem_shared>>
      tpu.enqueue_dma source(%dma_start3A_48 : memref<128x128xf32, #tpu.memory_space<vmem_shared>>) target(%dma_start3A_46 : memref<128x128xf32, #tpu.memory_space<hbm>>) target_semaphore(%run_scoped3A : memref<!tpu.dma_semaphore, #tpu.memory_space<semaphore_mem>>)
      %dma_wait3A = arith.constant 0 : i32
      %dma_wait3A_49 = tpu.memref_slice %arg7[%arg0, %mul3A_2, %dma_wait3A] : memref<2x2048x128xf32, #tpu.memory_space<hbm>> -> memref<1x128x128xf32, #tpu.memory_space<hbm>>
      %dma_wait3A_50 = tpu.memref_squeeze %dma_wait3A_49 : memref<1x128x128xf32, #tpu.memory_space<hbm>> -> memref<128x128xf32, #tpu.memory_space<hbm>>
      %dma_wait3A_51 = arith.constant 0 : i32
      %dma_wait3A_52 = tpu.memref_slice %arg19[%mul3A_2, %dma_wait3A_51] : memref<2048x128xf32, #tpu.memory_space<vmem_shared>> -> memref<128x128xf32, #tpu.memory_space<vmem_shared>>
      tpu.wait_dma2 semaphore(%run_scoped3A : memref<!tpu.dma_semaphore, #tpu.memory_space<semaphore_mem>>) src(%dma_wait3A_52 : memref<128x128xf32, #tpu.memory_space<vmem_shared>>) dst(%dma_wait3A_50 : memref<128x128xf32, #tpu.memory_space<hbm>>)
      tpu.yield
    }) : () -> ()
    %mul3A_42 = arith.constant 2048 : i32
    %mul3A_43 = arith.muli %arg0, %mul3A_42 : i32
    %add3A_44 = arith.addi %mul3A_43, %mul3A_2 : i32
    "tpu.region"() ({
      %run_scoped3A = tpu.sem_alloc : memref<!tpu.dma_semaphore, #tpu.memory_space<semaphore_mem>>
      %dma_start3A = tpu.memref_slice %arg8[%add3A_44] : memref<4096xf32, #tpu.memory_space<hbm>> -> memref<128xf32, #tpu.memory_space<hbm>>
      %dma_start3A_45 = tpu.memref_slice %arg20[%mul3A_2] : memref<2048xf32, #tpu.memory_space<vmem_shared>> -> memref<128xf32, #tpu.memory_space<vmem_shared>>
      tpu.enqueue_dma source(%dma_start3A_45 : memref<128xf32, #tpu.memory_space<vmem_shared>>) target(%dma_start3A : memref<128xf32, #tpu.memory_space<hbm>>) target_semaphore(%run_scoped3A : memref<!tpu.dma_semaphore, #tpu.memory_space<semaphore_mem>>)
      %dma_wait3A = tpu.memref_slice %arg8[%add3A_44] : memref<4096xf32, #tpu.memory_space<hbm>> -> memref<128xf32, #tpu.memory_space<hbm>>
      %dma_wait3A_46 = tpu.memref_slice %arg20[%mul3A_2] : memref<2048xf32, #tpu.memory_space<vmem_shared>> -> memref<128xf32, #tpu.memory_space<vmem_shared>>
      tpu.wait_dma2 semaphore(%run_scoped3A : memref<!tpu.dma_semaphore, #tpu.memory_space<semaphore_mem>>) src(%dma_wait3A_46 : memref<128xf32, #tpu.memory_space<vmem_shared>>) dst(%dma_wait3A : memref<128xf32, #tpu.memory_space<hbm>>)
      tpu.yield
    }) : () -> ()
    return
  }
}

module attributes {stable_mosaic.version = 14 : i64} {
  func.func @body(%arg0: i32, %arg1: memref<2x1024x128xf32, #tpu.memory_space<vmem>>, %arg2: memref<2x10240xf32, #tpu.memory_space<vmem>>, %arg3: memref<1024x128xf32, #tpu.memory_space<vmem>>, %arg4: memref<128x128xf32, #tpu.memory_space<vmem>>, %arg5: memref<128x128xf32, #tpu.memory_space<vmem>>, %arg6: memref<1x128xf32, #tpu.memory_space<vmem>>, %arg7: memref<1024x128xf32, #tpu.memory_space<vmem>>) attributes {dimension_semantics = [#tpu.dimension_semantics<arbitrary>], iteration_bounds = array<i64: 10>, scalar_prefetch = 0 : i64, scratch_operands = 0 : i64, tpu.core_type = #tpu.core_type<tc>, window_params = [{transform_indices = @transform_0, window_bounds = array<i64: 2, 1024, 128>}, {pipeline_mode = #tpu.pipeline_mode<synchronous>, transform_indices = @transform_1, window_bounds = array<i64: 2, 10240>}, {transform_indices = @transform_2, window_bounds = array<i64: 1024, 128>}, {pipeline_mode = #tpu.pipeline_mode<synchronous>, transform_indices = @transform_3, window_bounds = array<i64: 128, 128>}, {pipeline_mode = #tpu.pipeline_mode<synchronous>, transform_indices = @transform_4, window_bounds = array<i64: 128, 128>}, {pipeline_mode = #tpu.pipeline_mode<synchronous>, transform_indices = @transform_5, window_bounds = array<i64: 1, 128>}, {transform_indices = @transform_6, window_bounds = array<i64: 1024, 128>}]} {
    %get3A = arith.constant 0 : index
    %get3A_0 = arith.constant 0 : index
    %get3A_1 = arith.constant 0 : index
    %get3A_2 = vector.load %arg1[%get3A, %get3A_0, %get3A_1] : memref<2x1024x128xf32, #tpu.memory_space<vmem>>, vector<1x1024x128xf32>
    %get3A_3 = vector.shape_cast %get3A_2 : vector<1x1024x128xf32> to vector<1024x128xf32>
    %get3A_4 = arith.constant 1 : index
    %get3A_5 = arith.constant 0 : index
    %get3A_6 = arith.constant 0 : index
    %get3A_7 = vector.load %arg1[%get3A_4, %get3A_5, %get3A_6] : memref<2x1024x128xf32, #tpu.memory_space<vmem>>, vector<1x1024x128xf32>
    %get3A_8 = vector.shape_cast %get3A_7 : vector<1x1024x128xf32> to vector<1024x128xf32>
    %add3A = arith.addf %get3A_3, %get3A_8 : vector<1024x128xf32>
    %mul3A = arith.constant 1024 : i32
    %mul3A_9 = arith.muli %arg0, %mul3A : i32
    %get3A_10 = arith.constant 0 : index
    %get3A_11 = arith.index_cast %mul3A_9 : i32 to index
    %get3A_12 = vector.load %arg2[%get3A_10, %get3A_11] : memref<2x10240xf32, #tpu.memory_space<vmem>>, vector<1x1024xf32>
    %get3A_13 = vector.shape_cast %get3A_12 : vector<1x1024xf32> to vector<1024xf32>
    %mul3A_14 = arith.constant 1024 : i32
    %mul3A_15 = arith.muli %arg0, %mul3A_14 : i32
    %get3A_16 = arith.constant 1 : index
    %get3A_17 = arith.index_cast %mul3A_15 : i32 to index
    %get3A_18 = vector.load %arg2[%get3A_16, %get3A_17] : memref<2x10240xf32, #tpu.memory_space<vmem>>, vector<1x1024xf32>
    %get3A_19 = vector.shape_cast %get3A_18 : vector<1x1024xf32> to vector<1024xf32>
    %add3A_20 = arith.addf %get3A_13, %get3A_19 : vector<1024xf32>
    %max3A = arith.constant 1.000000e+00 : f32
    %max3A_21 = vector.broadcast %max3A : f32 to vector<1024xf32>
    %max3A_22 = arith.maximumf %add3A_20, %max3A_21 : vector<1024xf32>
    %div3A = arith.constant 1.000000e+00 : f32
    %div3A_23 = vector.broadcast %div3A : f32 to vector<1024xf32>
    %div3A_24 = arith.divf %div3A_23, %max3A_22 : vector<1024xf32>
    %broadcast_in_dim3A = vector.shape_cast %div3A_24 : vector<1024xf32> to vector<1024x1xf32>
    %mul3A_25 = vector.broadcast %broadcast_in_dim3A : vector<1024x1xf32> to vector<1024x128xf32>
    %mul3A_26 = arith.mulf %add3A, %mul3A_25 : vector<1024x128xf32>
    %get3A_27 = arith.constant 0 : index
    %get3A_28 = arith.constant 0 : index
    %get3A_29 = vector.load %arg4[%get3A_27, %get3A_28] : memref<128x128xf32, #tpu.memory_space<vmem>>, vector<128x128xf32>
    %dot_general3A = arith.constant dense<0.000000e+00> : vector<1024x128xf32>
    %dot_general3A_30 = tpu.matmul %mul3A_26, %get3A_29, %dot_general3A {dimension_numbers = #tpu.dot_dimension_numbers<[1], [0], [0], [1], [0, 0, 1, 1], [], []>, transpose_lhs_hint = false} : vector<1024x128xf32>, vector<128x128xf32>, vector<1024x128xf32> -> vector<1024x128xf32>
    %get3A_31 = arith.constant 0 : index
    %get3A_32 = arith.constant 0 : index
    %get3A_33 = vector.load %arg3[%get3A_31, %get3A_32] : memref<1024x128xf32, #tpu.memory_space<vmem>>, vector<1024x128xf32>
    %get3A_34 = arith.constant 0 : index
    %get3A_35 = arith.constant 0 : index
    %get3A_36 = vector.load %arg5[%get3A_34, %get3A_35] : memref<128x128xf32, #tpu.memory_space<vmem>>, vector<128x128xf32>
    %dot_general3A_37 = arith.constant dense<0.000000e+00> : vector<1024x128xf32>
    %dot_general3A_38 = tpu.matmul %get3A_33, %get3A_36, %dot_general3A_37 {dimension_numbers = #tpu.dot_dimension_numbers<[1], [0], [0], [1], [0, 0, 1, 1], [], []>, transpose_lhs_hint = false} : vector<1024x128xf32>, vector<128x128xf32>, vector<1024x128xf32> -> vector<1024x128xf32>
    %add3A_39 = arith.addf %dot_general3A_30, %dot_general3A_38 : vector<1024x128xf32>
    %get3A_40 = arith.constant 0 : index
    %get3A_41 = arith.constant 0 : index
    %get3A_42 = vector.load %arg6[%get3A_40, %get3A_41] : memref<1x128xf32, #tpu.memory_space<vmem>>, vector<1x128xf32>
    %add3A_43 = vector.broadcast %get3A_42 : vector<1x128xf32> to vector<1024x128xf32>
    %add3A_44 = arith.addf %add3A_39, %add3A_43 : vector<1024x128xf32>
    %max3A_45 = arith.constant 0.000000e+00 : f32
    %max3A_46 = vector.broadcast %max3A_45 : f32 to vector<1024x128xf32>
    %max3A_47 = arith.maximumf %add3A_44, %max3A_46 : vector<1024x128xf32>
    %swap3A = arith.constant 0 : index
    %swap3A_48 = arith.constant 0 : index
    %swap3A_49 = vector.load %arg7[%swap3A, %swap3A_48] : memref<1024x128xf32, #tpu.memory_space<vmem>>, vector<1024x128xf32>
    tpu.vector_store %arg7[%swap3A, %swap3A_48], %max3A_47 {strides = array<i32>} : memref<1024x128xf32, #tpu.memory_space<vmem>>, vector<1024x128xf32>,
    return
  }
  func.func @transform_0(%arg0: i32) -> (i32, i32, i32) {
    %c0_i32 = arith.constant 0 : i32
    %c0_i32_0 = arith.constant 0 : i32
    %c0_i32_1 = arith.constant 0 : i32
    return %c0_i32, %arg0, %c0_i32_0 : i32, i32, i32
  }
  func.func @transform_1(%arg0: i32) -> (i32, i32) {
    %c0_i32 = arith.constant 0 : i32
    %c0_i32_0 = arith.constant 0 : i32
    %c0_i32_1 = arith.constant 0 : i32
    return %c0_i32, %c0_i32_0 : i32, i32
  }
  func.func @transform_2(%arg0: i32) -> (i32, i32) {
    %c0_i32 = arith.constant 0 : i32
    %c0_i32_0 = arith.constant 0 : i32
    return %arg0, %c0_i32 : i32, i32
  }
  func.func @transform_3(%arg0: i32) -> (i32, i32) {
    %c0_i32 = arith.constant 0 : i32
    %c0_i32_0 = arith.constant 0 : i32
    %c0_i32_1 = arith.constant 0 : i32
    return %c0_i32, %c0_i32_0 : i32, i32
  }
  func.func @transform_4(%arg0: i32) -> (i32, i32) {
    %c0_i32 = arith.constant 0 : i32
    %c0_i32_0 = arith.constant 0 : i32
    %c0_i32_1 = arith.constant 0 : i32
    return %c0_i32, %c0_i32_0 : i32, i32
  }
  func.func @transform_5(%arg0: i32) -> (i32, i32) {
    %c0_i32 = arith.constant 0 : i32
    %c0_i32_0 = arith.constant 0 : i32
    %c0_i32_1 = arith.constant 0 : i32
    return %c0_i32, %c0_i32_0 : i32, i32
  }
  func.func @transform_6(%arg0: i32) -> (i32, i32) {
    %c0_i32 = arith.constant 0 : i32
    %c0_i32_0 = arith.constant 0 : i32
    return %arg0, %c0_i32 : i32, i32
  }
}

module attributes {stable_mosaic.version = 14 : i64} {
  func.func @body(%arg0: i32, %arg1: memref<2x1024x128xf32, #tpu.memory_space<vmem>>, %arg2: memref<2x2048xf32, #tpu.memory_space<vmem>>, %arg3: memref<1024x128xf32, #tpu.memory_space<vmem>>, %arg4: memref<128x128xf32, #tpu.memory_space<vmem>>, %arg5: memref<128x128xf32, #tpu.memory_space<vmem>>, %arg6: memref<1x128xf32, #tpu.memory_space<vmem>>, %arg7: memref<1024x128xf32, #tpu.memory_space<vmem>>) attributes {dimension_semantics = [#tpu.dimension_semantics<arbitrary>], iteration_bounds = array<i64: 2>, scalar_prefetch = 0 : i64, scratch_operands = 0 : i64, tpu.core_type = #tpu.core_type<tc>, window_params = [{transform_indices = @transform_0, window_bounds = array<i64: 2, 1024, 128>}, {pipeline_mode = #tpu.pipeline_mode<synchronous>, transform_indices = @transform_1, window_bounds = array<i64: 2, 2048>}, {transform_indices = @transform_2, window_bounds = array<i64: 1024, 128>}, {pipeline_mode = #tpu.pipeline_mode<synchronous>, transform_indices = @transform_3, window_bounds = array<i64: 128, 128>}, {pipeline_mode = #tpu.pipeline_mode<synchronous>, transform_indices = @transform_4, window_bounds = array<i64: 128, 128>}, {pipeline_mode = #tpu.pipeline_mode<synchronous>, transform_indices = @transform_5, window_bounds = array<i64: 1, 128>}, {transform_indices = @transform_6, window_bounds = array<i64: 1024, 128>}]} {
    %get3A = arith.constant 0 : index
    %get3A_0 = arith.constant 0 : index
    %get3A_1 = arith.constant 0 : index
    %get3A_2 = vector.load %arg1[%get3A, %get3A_0, %get3A_1] : memref<2x1024x128xf32, #tpu.memory_space<vmem>>, vector<1x1024x128xf32>
    %get3A_3 = vector.shape_cast %get3A_2 : vector<1x1024x128xf32> to vector<1024x128xf32>
    %get3A_4 = arith.constant 1 : index
    %get3A_5 = arith.constant 0 : index
    %get3A_6 = arith.constant 0 : index
    %get3A_7 = vector.load %arg1[%get3A_4, %get3A_5, %get3A_6] : memref<2x1024x128xf32, #tpu.memory_space<vmem>>, vector<1x1024x128xf32>
    %get3A_8 = vector.shape_cast %get3A_7 : vector<1x1024x128xf32> to vector<1024x128xf32>
    %add3A = arith.addf %get3A_3, %get3A_8 : vector<1024x128xf32>
    %mul3A = arith.constant 1024 : i32
    %mul3A_9 = arith.muli %arg0, %mul3A : i32
    %get3A_10 = arith.constant 0 : index
    %get3A_11 = arith.index_cast %mul3A_9 : i32 to index
    %get3A_12 = vector.load %arg2[%get3A_10, %get3A_11] : memref<2x2048xf32, #tpu.memory_space<vmem>>, vector<1x1024xf32>
    %get3A_13 = vector.shape_cast %get3A_12 : vector<1x1024xf32> to vector<1024xf32>
    %mul3A_14 = arith.constant 1024 : i32
    %mul3A_15 = arith.muli %arg0, %mul3A_14 : i32
    %get3A_16 = arith.constant 1 : index
    %get3A_17 = arith.index_cast %mul3A_15 : i32 to index
    %get3A_18 = vector.load %arg2[%get3A_16, %get3A_17] : memref<2x2048xf32, #tpu.memory_space<vmem>>, vector<1x1024xf32>
    %get3A_19 = vector.shape_cast %get3A_18 : vector<1x1024xf32> to vector<1024xf32>
    %add3A_20 = arith.addf %get3A_13, %get3A_19 : vector<1024xf32>
    %max3A = arith.constant 1.000000e+00 : f32
    %max3A_21 = vector.broadcast %max3A : f32 to vector<1024xf32>
    %max3A_22 = arith.maximumf %add3A_20, %max3A_21 : vector<1024xf32>
    %div3A = arith.constant 1.000000e+00 : f32
    %div3A_23 = vector.broadcast %div3A : f32 to vector<1024xf32>
    %div3A_24 = arith.divf %div3A_23, %max3A_22 : vector<1024xf32>
    %broadcast_in_dim3A = vector.shape_cast %div3A_24 : vector<1024xf32> to vector<1024x1xf32>
    %mul3A_25 = vector.broadcast %broadcast_in_dim3A : vector<1024x1xf32> to vector<1024x128xf32>
    %mul3A_26 = arith.mulf %add3A, %mul3A_25 : vector<1024x128xf32>
    %get3A_27 = arith.constant 0 : index
    %get3A_28 = arith.constant 0 : index
    %get3A_29 = vector.load %arg4[%get3A_27, %get3A_28] : memref<128x128xf32, #tpu.memory_space<vmem>>, vector<128x128xf32>
    %dot_general3A = arith.constant dense<0.000000e+00> : vector<1024x128xf32>
    %dot_general3A_30 = tpu.matmul %mul3A_26, %get3A_29, %dot_general3A {dimension_numbers = #tpu.dot_dimension_numbers<[1], [0], [0], [1], [0, 0, 1, 1], [], []>, transpose_lhs_hint = false} : vector<1024x128xf32>, vector<128x128xf32>, vector<1024x128xf32> -> vector<1024x128xf32>
    %get3A_31 = arith.constant 0 : index
    %get3A_32 = arith.constant 0 : index
    %get3A_33 = vector.load %arg3[%get3A_31, %get3A_32] : memref<1024x128xf32, #tpu.memory_space<vmem>>, vector<1024x128xf32>
    %get3A_34 = arith.constant 0 : index
    %get3A_35 = arith.constant 0 : index
    %get3A_36 = vector.load %arg5[%get3A_34, %get3A_35] : memref<128x128xf32, #tpu.memory_space<vmem>>, vector<128x128xf32>
    %dot_general3A_37 = arith.constant dense<0.000000e+00> : vector<1024x128xf32>
    %dot_general3A_38 = tpu.matmul %get3A_33, %get3A_36, %dot_general3A_37 {dimension_numbers = #tpu.dot_dimension_numbers<[1], [0], [0], [1], [0, 0, 1, 1], [], []>, transpose_lhs_hint = false} : vector<1024x128xf32>, vector<128x128xf32>, vector<1024x128xf32> -> vector<1024x128xf32>
    %add3A_39 = arith.addf %dot_general3A_30, %dot_general3A_38 : vector<1024x128xf32>
    %get3A_40 = arith.constant 0 : index
    %get3A_41 = arith.constant 0 : index
    %get3A_42 = vector.load %arg6[%get3A_40, %get3A_41] : memref<1x128xf32, #tpu.memory_space<vmem>>, vector<1x128xf32>
    %add3A_43 = vector.broadcast %get3A_42 : vector<1x128xf32> to vector<1024x128xf32>
    %add3A_44 = arith.addf %add3A_39, %add3A_43 : vector<1024x128xf32>
    %swap3A = arith.constant 0 : index
    %swap3A_45 = arith.constant 0 : index
    %swap3A_46 = vector.load %arg7[%swap3A, %swap3A_45] : memref<1024x128xf32, #tpu.memory_space<vmem>>, vector<1024x128xf32>
    tpu.vector_store %arg7[%swap3A, %swap3A_45], %add3A_44 {strides = array<i32>} : memref<1024x128xf32, #tpu.memory_space<vmem>>, vector<1024x128xf32>,
    return
  }
  func.func @transform_0(%arg0: i32) -> (i32, i32, i32) {
    %c0_i32 = arith.constant 0 : i32
    %c0_i32_0 = arith.constant 0 : i32
    %c0_i32_1 = arith.constant 0 : i32
    return %c0_i32, %arg0, %c0_i32_0 : i32, i32, i32
  }
  func.func @transform_1(%arg0: i32) -> (i32, i32) {
    %c0_i32 = arith.constant 0 : i32
    %c0_i32_0 = arith.constant 0 : i32
    %c0_i32_1 = arith.constant 0 : i32
    return %c0_i32, %c0_i32_0 : i32, i32
  }
  func.func @transform_2(%arg0: i32) -> (i32, i32) {
    %c0_i32 = arith.constant 0 : i32
    %c0_i32_0 = arith.constant 0 : i32
    return %arg0, %c0_i32 : i32, i32
  }
  func.func @transform_3(%arg0: i32) -> (i32, i32) {
    %c0_i32 = arith.constant 0 : i32
    %c0_i32_0 = arith.constant 0 : i32
    %c0_i32_1 = arith.constant 0 : i32
    return %c0_i32, %c0_i32_0 : i32, i32
  }
  func.func @transform_4(%arg0: i32) -> (i32, i32) {
    %c0_i32 = arith.constant 0 : i32
    %c0_i32_0 = arith.constant 0 : i32
    %c0_i32_1 = arith.constant 0 : i32
    return %c0_i32, %c0_i32_0 : i32, i32
  }
  func.func @transform_5(%arg0: i32) -> (i32, i32) {
    %c0_i32 = arith.constant 0 : i32
    %c0_i32_0 = arith.constant 0 : i32
    %c0_i32_1 = arith.constant 0 : i32
    return %c0_i32, %c0_i32_0 : i32, i32
  }
  func.func @transform_6(%arg0: i32) -> (i32, i32) {
    %c0_i32 = arith.constant 0 : i32
    %c0_i32_0 = arith.constant 0 : i32
    return %arg0, %c0_i32 : i32, i32
  }
}

</mosaic_0001>

<sc_bundles>
// kernel: kernel.6.cloned.1.call-start
scs
__scs_entry_jumppad:
0x0: {  	(pc) =	sbr.rel $0x88, $3  }
0x1: {  	(tag) =	ssettag $0x0;
	lr =	simm.s32 $0x1  }
0x2: {  	[smem:$0x3F94] =	sst lr;
	_ =	strace $0xD0000000  }
0x3: {  	_ = 	snop  }
0x4: {  	_ = 	snop  }
0x5: {  	_ = 	snop  }
0x6: {  	_ = 	snop  }
0x7: {  	_ = 	snop  }
__scs_overlays_trampoline_lowered:
0x8: {  	[smem:$0x3FA3] =	sst s0  }
0x9: {  	[smem:$0x3FA4] =	sst s1  }
0xa: {  	[smem:$0x3FA5] =	sst s2  }
0xb: {  	[smem:$0x3FA6] =	sst s3  }
0xc: {  	[smem:$0x3FA7] =	sst s4  }
0xd: {  	[smem:$0x3FA8] =	sst s5  }
0xe: {  	[smem:$0x3FA9] =	sst s6  }
0xf: {  	[smem:$0x3FAA] =	sst s7  }
0x10: {  	[smem:$0x3FAB] =	sst s8  }
0x11: {  	[smem:$0x3FAC] =	sst s9;
	s0 =	simm.s32 @!p0 $0x0  }
0x12: {  	s1 =	sld [smem:$0x3F92];
	s0 =	simm.s32 @p0 $0x1  }
0x13: {  	[smem:$0x3FAD] =	sst s0;
	s0 =	simm.s32 @!p1 $0x0  }
0x14: {  	s2 =	sld [smem:$0x3F91];
	s0 =	simm.s32 @p1 $0x1  }
0x15: {  	[smem:$0x3FAE] =	sst s0;
	s0 =	simm.s32 @!p2 $0x0  }
0x16: {  	s3 =	sld [smem:$0x3FDB];
	s0 =	simm.s32 @p2 $0x1  }
0x17: {  	s4 =	simm.s32 $0x1BF5;
	[smem:$0x3FB0] =	sst s0  }
0x18: {  	s0 =	sld [smem:$0x3F93];
	_ =	swait.ge [sflag:s4], $0x0  }
0x19: {  	s7 =	sld [smem:$0x3F94]  }
0x1a: {  	s8 =	sadd.s32 $0xFFFFE003, lr  }
0x1b: {  	s9 =	sadd.s32 $0xFFFFFEF7, lr;
	s5 =	simm.s32 $0xFFFFFFFF;
	p2 =	slt.u32 s8, $0xFFFFF086  }
0x1c: {  	p1 =	slt.u32 s9, $0xF7A;
	s5 =	simm.s32 @!p2 $0x0  }
0x1d: {  	s5 =	simm.s32 @p1 $0x1;
	p0 =	seq.s32 s7, s2  }
0x1e: {  	s7 =	smul.u32 @!p0 $0xF7A, s2;
	p2 =	seq.s32 @!p0 s5, $0x0  }
0x1f: {  	s9 =	smul.u32 $0xF7A, s1;
	s8 =	simm.s32 @!p0 $0x1BF5;
	p2 =	por !p2, p0  }
0x20: {  	[sflag:s8] =	ssyncset.s32 @!p0 $0xFFFFF086;
	s6 =	sadd.s32 @!p0 s3, s7;
	s7 =	simm.s32 @!p0 $0x108  }
0x21: {  	s3 =	sadd.s32 s3, s9;
	s6 =	sadd.s32 @!p0 $0x88, s6;
	s7 =	simm.s32 @p2 $0x1082  }
0x22: {  	[simem:s7], [sflag:s8] =	dma.local @!p0 [hbm:s6], $0xF7A  }
0x23: {  	s9 =	sor.u32 $0xD0000000, s2;
	s6 =	simm.s32 $0x108;
	_ =	swait.ge @!p0 [sflag:s8], $0x0  }
0x24: {  	s3 =	sadd.s32 $0x88, s3;
	s6 =	simm.s32 @!p1 $0x1082;
	[sflag:s4] =	ssyncset.s32 $0xFFFFF086  }
0x25: {  	[simem:s6], [sflag:s4] =	dma.local [hbm:s3], $0xF7A  }
0x26: {  	[smem:$0x3F94] =	sst s1;
	(tag) =	ssettag s2;
	_ =	strace s9  }
0x27: {  	s1 =	sld [smem:$0x3FA4]  }
0x28: {  	s2 =	sld [smem:$0x3FA5]  }
0x29: {  	s4 =	sld [smem:$0x3FA7]  }
0x2a: {  	p0 =	seq.s32 s5, $0x0;
	s5 =	sld [smem:$0x3FA8]  }
0x2b: {  	s6 =	sld [smem:$0x3FA9]  }
0x2c: {  	s7 =	sld [smem:$0x3FAA]  }
0x2d: {  	s3 =	simm.s32 $0x108;
	s8 =	sld [smem:$0x3FAB]  }
0x2e: {  	s3 =	simm.s32 @!p0 $0x1082;
	s9 =	sld [smem:$0x3FAC]  }
0x2f: {  	lr =	sadd.s32 s0, s3;
	s0 =	sld [smem:$0x3FA3]  }
0x30: {  	s3 =	sld [smem:$0x3FA6]  }
0x31: {  	[smem:$0x3FAF] =	sst s10  }
0x32: {  	s10 =	sld [smem:$0x3FAD];
	_ =	sdelay $0x3  }
0x33: {  	p0 =	seq.s32 s10, $0x1;
	s10 =	sld [smem:$0x3FAF];
	_ =	sdelay $0x3  }
0x34: {  	[smem:$0x3FAF] =	sst s10  }
0x35: {  	s10 =	sld [smem:$0x3FAE];
	_ =	sdelay $0x3  }
0x36: {  	p1 =	seq.s32 s10, $0x1;
	s10 =	sld [smem:$0x3FAF];
	_ =	sdelay $0x3  }
0x37: {  	[smem:$0x3FAF] =	sst s10  }
0x38: {  	s10 =	sld [smem:$0x3FB0]  }
0x39: {  	_ = 	snop;
	(pc) =	sbr.ind lr, $3  }
0x3a: {  	_ = 	snop  }
0x3b: {  	_ = 	snop  }
0x3c: {  	p2 =	seq.s32 s10, $0x1;
	s10 =	sld [smem:$0x3FAF]  }
0x3d: {  	_ =	shalt  }
0x3e: {  	_ =	shalt  }
0x3f: {  	_ =	shalt  }
0x40: {  	_ =	shalt  }
0x41: {  	_ =	shalt  }
0x42: {  	_ =	shalt  }
0x43: {  	_ =	shalt  }
0x44: {  	_ =	shalt  }
0x45: {  	_ =	shalt  }
0x46: {  	_ =	shalt  }
0x47: {  	_ =	shalt  }
0x48: {  	_ =	shalt  }
0x49: {  	_ =	shalt  }
0x4a: {  	_ =	shalt  }
0x4b: {  	_ =	shalt  }
0x4c: {  	_ =	shalt  }
0x4d: {  	_ =	shalt  }
0x4e: {  	_ =	shalt  }
0x4f: {  	_ =	shalt  }
0x50: {  	_ =	shalt  }
0x51: {  	_ =	shalt  }
0x52: {  	_ =	shalt  }
0x53: {  	_ =	shalt  }
0x54: {  	_ =	shalt  }
0x55: {  	_ =	shalt  }
0x56: {  	_ =	shalt  }
0x57: {  	_ =	shalt  }
0x58: {  	_ =	shalt  }
0x59: {  	_ =	shalt  }
0x5a: {  	_ =	shalt  }
0x5b: {  	_ =	shalt  }
0x5c: {  	_ =	shalt  }
0x5d: {  	_ =	shalt  }
0x5e: {  	_ =	shalt  }
0x5f: {  	_ =	shalt  }
0x60: {  	_ =	shalt  }
0x61: {  	_ =	shalt  }
0x62: {  	_ =	shalt  }
0x63: {  	_ =	shalt  }
0x64: {  	_ =	shalt  }
0x65: {  	_ =	shalt  }
0x66: {  	_ =	shalt  }
0x67: {  	_ =	shalt  }
0x68: {  	_ =	shalt  }
0x69: {  	_ =	shalt  }
0x6a: {  	_ =	shalt  }
0x6b: {  	_ =	shalt  }
0x6c: {  	_ =	shalt  }
0x6d: {  	_ =	shalt  }
0x6e: {  	_ =	shalt  }
0x6f: {  	_ =	shalt  }
0x70: {  	_ =	shalt  }
0x71: {  	_ =	shalt  }
0x72: {  	_ =	shalt  }
0x73: {  	_ =	shalt  }
0x74: {  	_ =	shalt  }
0x75: {  	_ =	shalt  }
0x76: {  	_ =	shalt  }
0x77: {  	_ =	shalt  }
0x78: {  	_ =	shalt  }
0x79: {  	_ =	shalt  }
0x7a: {  	_ =	shalt  }
0x7b: {  	_ =	shalt  }
0x7c: {  	_ =	shalt  }
0x7d: {  	_ =	shalt  }
0x7e: {  	_ =	shalt  }
0x7f: {  	_ =	shalt  }
0x80: {  	_ =	shalt  }
0x81: {  	_ =	shalt  }
0x82: {  	_ =	shalt  }
0x83: {  	_ =	shalt  }
0x84: {  	_ =	shalt  }
0x85: {  	_ =	shalt  }
0x86: {  	_ =	shalt  }
0x87: {  	_ =	shalt  }
.Lfunc_end0:
.L_simem_size_0:
called_computation_lowered:
.L_overlay_start_0:
0x88: {  	s2 =	sld [smem:$0x3FD9]  }
0x89: {  	s3 =	sld [smem:$0x3FFE];
	_ =	sdelay $0x1  }
0x8a: {  	s1 =	srdreg.scid  }
0x8b: {  	s0 =	sand.u32 $0x1, s1  }
0x8c: {  	s17 =	sshll.u32 s0, $0xA;
	s2 =	sadd.s32 s3, s2  }
0x8d: {  	s2 =	sadd.s32 s2, s17  }
0x8e: {  	[smem:$0x3FBB] =	sst s2  }
0x8f: {  	_ = 	snop  }
0x90: {  	s2 =	sld [smem:$0x3FC9]  }
0x91: {  	s18 =	sld [smem:$0x3FD0];
	(tm) =	ssettm $0x1  }
0x92: {  	s4 =	sld [smem:$0x3FFB];
	_ =	sdelay $0x3  }
0x93: {  	_ =	strace s4  }
0x94: {  	s4 =	sld [smem:$0x3FFC];
	_ =	sdelay $0x3  }
0x95: {  	_ =	strace s4  }
0x96: {  	s4 =	sld [smem:$0x3FFD];
	_ =	sdelay $0x3  }
0x97: {  	_ =	strace s4  }
0x98: {  	_ =	strace $0x8FFFFFFF  }
0x99: {  	s19 =	sld [smem:$0x3FDB];
	_ =	sdelay $0x1  }
0x9a: {  	s5 =	simm.s32 $_scs_section_size  }
0x9b: {  	s6 =	simm.s32 $_size__tile_overlayer_lowered;
	s7 =	simm.s32 $_tile_overlayer_lowered  }
0x9c: {  	s22 =	simm.s32 $0x1BFF;
	s21 =	sshll.u32 s7, $0x1;
	s4 =	sadd.s32 s5, s19  }
0x9d: {  	s8 =	simm.s32 $0x0;
	s20 =	sshll.u32 s6, $0x1;
	s6 =	sadd.s32 s21, s4  }
0x9e: {  	[timem:s8], [sflag:s22] =	dma.local [hbm:s6], s20  }
0x9f: {  	_ =	swait.ge [sflag:s22], s20  }
0xa0: {  	s5 =	ssub.s32 $0x0, s20;
	[sflag:s22] =	ssyncset.done $0x0  }
0xa1: {  	[sflag:s22] =	ssyncadd.s32 s5;
	_ =	sdelay $0x1  }
0xa2: {  	s23 =	simm.s32 $0x1B8B  }
0xa3: {  	_ =	swait.ge [sflag:s23], $0x1  }
0xa4: {  	[sflag:s23] =	ssyncset.done $0x0  }
0xa5: {  	s25 =	simm.s32 $0x1B8E;
	s24 =	sld [smem:$0x3FFE];
	[sflag:s23] =	ssyncadd.s32 $0xFFFFFFFF  }
0xa6: {  	s26 =	simm.s32 $execute0_lowered;
	[smem:$0x3FD2] =	sst s25  }
0xa7: {  	s6 =	sshll.u32 s26, $0x1;
	_ =	strace $0x80000046;
	[dreg:$0x1] =	wrdreg $0xFFFFFFFF  }
0xa8: {  	s28 =	simm.s32 $_size_execute0_lowered;
	s4 =	sadd.s32 s4, s6;
	[dreg:$0x0] =	wrdreg $0x0  }
0xa9: {  	s6 =	sshll.u32 s28, $0x1;
	[dreg:$0x2] =	wrdreg s4  }
0xaa: {  	[dreg:$0x3] =	wrdreg s6  }
0xab: {  	[dreg:$0x4] =	wrdreg $0xC0  }
0xac: {  	_ =	task [dreg:s8], $0x5FFFF  }
0xad: {  	[dreg:$0x1] =	wrdreg $0xFFFFFFFF  }
0xae: {  	[dreg:$0x0] =	wrdreg $0x60  }
0xaf: {  	[dreg:$0x2] =	wrdreg s2  }
0xb0: {  	[dreg:$0x3] =	wrdreg s24  }
0xb1: {  	[dreg:$0x4] =	wrdreg s18  }
0xb2: {  	[dreg:$0x5] =	wrdreg $0x81800  }
0xb3: {  	[dreg:$0x6] =	wrdreg $0x1C1800  }
0xb4: {  	[dreg:$0x7] =	wrdreg $0x9  }
0xb5: {  	_ =	task.clear_ibuf [dreg:s8], $0x8FFFF;
	_ =	strace $0x90000046  }
0xb6: {  	s29 =	simm.s32 $0x9;
	_ =	strace $0x80000048  }
0xb7: {  	_ =	swait.ge [sflag:s29], $0x1  }
0xb8: {  	[sflag:s29] =	ssyncadd.s32 $0xFFFFFFFF  }
0xb9: {  	_ =	strace $0x90000048  }
0xba: {  	_ =	sfence  }
0xbb: {  	s30 =	sld [smem:$0x0];
	_ =	sdelay $0x2  }
0xbc: {  	s31 =	sshll.u32 s1, $0xD;
	s1 =	sshrl.u32 s1, $0x2  }
0xbd: {  	s3 =	sand.u32 $0x4000, s31;
	s1 =	sadd.s32 s1, s30  }
0xbe: {  	s0 =	sor.u32 s3, s0;
	s1 =	sshll.u32 s1, $0x11  }
0xbf: {  	s0 =	sor.u32 s1, s0  }
0xc0: {  	s0 =	sadd.s32 $0x8F2B, s0  }
0xc1: {  	[sflag:s0] =	ssyncadd.remote.s32 $0x1  }
0xc2: {  	_ =	sfence.sel $0xFFFF  }
0xc3: {  	[dreg:$0x0] =	wrdreg $0xFFFFFFFF;
	(pc) =	sbr.abs _section_cstart, $3  }
0xc4: {  	[dreg:$0x1] =	wrdreg $0xFFFFFFFF  }
0xc5: {  	_ =	task.clear_ibuf [dreg:s8], $0x2FFFF;
	_ =	strace $0x9FFFFFFF  }
0xc6: {  	(tm) =	ssettm $0x7FFFFFFF  }
0xc7: {  	_ =	shalt  }
tec
execute0_lowered:
.L_overlay_start_1:
0x0: {  	(tag) =	ssettag $0x1  }
0x1: {  	s1 =	rddreg [dreg:$0x0]  }
0x2: {  	s8 =	rddreg [dreg:$0x1];
	s0 =	stileid.u32  }
0x3: {  	s3 =	srdreg.scid;
	s2 =	rddreg [dreg:$0x2]  }
0x4: {  	s4 =	rddreg [dreg:$0x3];
	s7 =	smul.u32 $0xA00, s0  }
0x5: {  	s5 =	rddreg [dreg:$0x4];
	s6 =	simm.s32 $0x0;
	s11 =	smul.u32 $0x14000, s0  }
0x6: {  	s18 =	simm.s32 $0x100;
	s19 =	simm.s32 $0x1;
	s12 =	smul.u32 $0x280, s0  }
0x7: {  	s20 =	simm.s32 $0x8100;
	s9 =	sand.u32 $0x1, s3;
	s15 =	smul.u32 $0x50000, s0  }
0x8: {  	s21 =	simm.s32 $0x0;
	s3 =	rddreg [dreg:$0x5];
	s10 =	smul.u32 $0x140000, s9  }
0x9: {  	[smem:$0x7FF] =	sst s6;
	s16 =	sshll.u32 s0, $0x6;
	s13 =	smul.u32 $0x2800, s9  }
0xa: {  	_ =	strace $0x80000047;
	s29 =	ssub.s32 $0x2, s9;
	s17 =	smul.u32 $0x500, s9  }
0xb: {  	s14 =	sadd.s32 s7, s8;
	s7 =	sadd.s32 $0x16E00, s8;
	s30 =	sshrl.u32 s29, $0x1  }
0xc: {  	s15 =	sshrl.u32 s15, $0x2;
	s31 =	sadd.s32 s12, s5;
	s10 =	sadd.s32 s11, s10  }
0xd: {  	s28 =	sadd.s32 s12, s13;
	s13 =	ssub.s32 s29, s30;
	s15 =	sadd.s32 s15, s4  }
0xe: {  	s14 =	sadd.s32 s17, s14;
	s17 =	simm.s32 $0x80;
	s10 =	sshrl.u32 s10, $0x3  }
0xf: {  	s11 =	sshrl.u32 s28, $0x3;
	s12 =	sadd.s32 $0xCC00, s14;
	s10 =	sadd.s32 s10, s8  }
0x10: {  	s11 =	sadd.s32 s11, s8;
	s8 =	sor.u32 $0x1C03, s16;
	s16 =	sshrl.u32 s31, $0x3  }
0x11: {  	s9 =	sadd.s32 $0x17A00, s10;
	s10 =	sadd.s32 $0x17000, s11;
	s11 =	smax.u32 s13, $0x1  }
0x12: {  	v0 =	vimm.f32 $1.000000000e+00;
	s13 =	sadd.s32 $0x2A00, s14;
	s14 =	sshrl.u32 s15, $0x3;
	s15 =	simm.s32 $0x3  }
.LBB2_1:
0x13: {  	[spmem:s14], [sflag:s8] =	dma.local [hbm:s2], $0x2800  }
0x14: {  	_ =	swait.ge [sflag:s15], $0x2800  }
0x15: {  	[sflag:s15] =	ssyncset.done $0x0  }
0x16: {  	[sflag:s15] =	ssyncadd.s32 $0xFFFFD800  }
0x17: {  	[spmem:s16], [sflag:s8] =	dma.local [hbm:s7], $0x50  }
0x18: {  	_ =	swait.ge [sflag:s15], $0x50  }
0x19: {  	[sflag:s15] =	ssyncset.done $0x0  }
0x1a: {  	[sflag:s15] =	ssyncadd.s32 $0xFFFFFFB0  }
0x1b: {  	[tilespmem:$0x8100] =	vst v0  }
0x1c: {  	[tilespmem:$0x8110] =	vst v0  }
0x1d: {  	[tilespmem:$0x8120] =	vst v0  }
0x1e: {  	[tilespmem:$0x8130] =	vst v0  }
0x1f: {  	[tilespmem:$0x8140] =	vst v0  }
0x20: {  	[tilespmem:$0x8150] =	vst v0  }
0x21: {  	[tilespmem:$0x8160] =	vst v0  }
0x22: {  	[tilespmem:$0x8170] =	vst v0  }
0x23: {  	s22 =	sadd.s32 $0x0, s13;
	[bflag:$0x0] =	sbarrier.arrive $0xFFFF  }
0x24: {  	[tilespmem:s6], [sflag:$0x3] =	stream.linear.gather [hbm4b:s22+s6], $0x80, $0x38;
	[tilespmem:$0x1C400] =	vst v63  }
0x25: {  	_ =	swait.ge [sflag:s15], $0x80  }
0x26: {  	[sflag:s15] =	ssyncset.done $0x0  }
0x27: {  	s31 =	sadd.s32 $0x0, s12;
	[sflag:s15] =	ssyncadd.s32 $0xFFFFFF80  }
0x28: {  	[tilespmem:s17], [sflag:$0x3] =	stream.linear.gather [hbm4b:s31+s6], $0x80, $0x38;
	[tilespmem:$0x1C400] =	vst v63  }
0x29: {  	_ =	swait.ge [sflag:s15], $0x80  }
0x2a: {  	[sflag:s15] =	ssyncset.done $0x0  }
0x2b: {  	[sflag:s15] =	ssyncadd.s32 $0xFFFFFF80  }
0x2c: {  	[tilespmem:s18], [sflag:$0x1] =	stream.indirect.gather [hbm4b:s1+s17], $0x80, s6, s17, $0xb8;
	[tilespmem:$0x1C400] =	vst v63  }
0x2d: {  	_ =	swait.ge [sflag:s19], $0x4000  }
0x2e: {  	[sflag:s19] =	ssyncset.done $0x0  }
0x2f: {  	[sflag:s19] =	ssyncadd.s32 $0xFFFFC000  }
0x30: {  	[spmem:s4] =	stream.indirect.scatter.add.f32 [tilespmem:s18], [sflag:$0x3], $0x80, s17, s17, $0xb8;
	[tilespmem:$0x1C400] =	vst v63  }
0x31: {  	_ =	swait.ge [sflag:s15], $0x4000  }
0x32: {  	[sflag:s15] =	ssyncset.done $0x0  }
0x33: {  	[sflag:s15] =	ssyncadd.s32 $0xFFFFC000  }
0x34: {  	[spmem:s5] =	stream.indirect.scatter.add.f32 [tilespmem:s20], [sflag:$0x3], $0x1, s17, s17, $0xb8;
	[tilespmem:$0x1C400] =	vst v63  }
0x35: {  	_ =	swait.ge [sflag:s15], $0x80  }
0x36: {  	s23 =	simm.s32 $0x20;
	s22 =	simm.s32 $0x10;
	[sflag:s15] =	ssyncset.done $0x0  }
.LBB2_2:
0x37: {  	s24 =	sadd.s32 s22, s13  }
0x38: {  	[sflag:s15] =	ssyncadd.s32 $0xFFFFFF80;
	s25 =	smov.u32 s23;
	s26 =	sadd.s32 $0x10, s23  }
0x39: {  	[tilespmem:s6], [sflag:$0x3] =	stream.linear.gather [hbm4b:s24+s6], $0x80, $0x38;
	[tilespmem:$0x1C400] =	vst v63  }
0x3a: {  	p0 =	sne.s32 s23, $0x4F0;
	_ =	swait.ge [sflag:s15], $0x80  }
0x3b: {  	[sflag:s15] =	ssyncset.done $0x0  }
0x3c: {  	s23 =	sadd.s32 s22, s12;
	s22 =	smov.u32 s25;
	[sflag:s15] =	ssyncadd.s32 $0xFFFFFF80  }
0x3d: {  	[tilespmem:s17], [sflag:$0x3] =	stream.linear.gather [hbm4b:s23+s6], $0x80, $0x38;
	[tilespmem:$0x1C400] =	vst v63  }
0x3e: {  	_ =	swait.ge [sflag:s15], $0x80  }
0x3f: {  	[sflag:s15] =	ssyncset.done $0x0  }
0x40: {  	[sflag:s15] =	ssyncadd.s32 $0xFFFFFF80  }
0x41: {  	[tilespmem:s18], [sflag:$0x1] =	stream.indirect.gather [hbm4b:s1+s17], $0x80, s6, s17, $0xb8;
	[tilespmem:$0x1C400] =	vst v63  }
0x42: {  	_ =	swait.ge [sflag:s19], $0x4000  }
0x43: {  	[sflag:s19] =	ssyncset.done $0x0  }
0x44: {  	[sflag:s19] =	ssyncadd.s32 $0xFFFFC000  }
0x45: {  	[spmem:s4] =	stream.indirect.scatter.add.f32 [tilespmem:s18], [sflag:$0x3], $0x80, s17, s17, $0xb8;
	[tilespmem:$0x1C400] =	vst v63  }
0x46: {  	_ =	swait.ge [sflag:s15], $0x4000  }
.Ltmp0:
0x47: {  	[sflag:s15] =	ssyncset.done $0x0;
	(pc) =	sbr.rel @p0 .LBB2_2-.Ltmp0, $4  }
0x48: {  	[sflag:s15] =	ssyncadd.s32 $0xFFFFC000  }
0x49: {  	[spmem:s5] =	stream.indirect.scatter.add.f32 [tilespmem:s20], [sflag:$0x3], $0x1, s17, s17, $0xb8;
	[tilespmem:$0x1C400] =	vst v63  }
0x4a: {  	_ =	swait.ge [sflag:s15], $0x80  }
0x4b: {  	s23 =	smov.u32 s26;
	[sflag:s15] =	ssyncset.done $0x0  }
0x4c: {  	s23 =	sadd.s32 s22, s13;
	[sflag:s15] =	ssyncadd.s32 $0xFFFFFF80  }
0x4d: {  	[tilespmem:s6], [sflag:$0x3] =	stream.linear.gather [hbm4b:s23+s6], $0x80, $0x38;
	[tilespmem:$0x1C400] =	vst v63  }
0x4e: {  	_ =	swait.ge [sflag:s15], $0x80  }
0x4f: {  	[sflag:s15] =	ssyncset.done $0x0  }
0x50: {  	s31 =	sadd.s32 s22, s12;
	[sflag:s15] =	ssyncadd.s32 $0xFFFFFF80  }
0x51: {  	[tilespmem:s17], [sflag:$0x3] =	stream.linear.gather [hbm4b:s31+s6], $0x80, $0x38;
	[tilespmem:$0x1C400] =	vst v63  }
0x52: {  	_ =	swait.ge [sflag:s15], $0x80  }
0x53: {  	[sflag:s15] =	ssyncset.done $0x0  }
0x54: {  	[sflag:s15] =	ssyncadd.s32 $0xFFFFFF80  }
0x55: {  	[tilespmem:s18], [sflag:$0x1] =	stream.indirect.gather [hbm4b:s1+s17], $0x80, s6, s17, $0xb8;
	[tilespmem:$0x1C400] =	vst v63  }
0x56: {  	_ =	swait.ge [sflag:s19], $0x4000  }
0x57: {  	[sflag:s19] =	ssyncset.done $0x0  }
0x58: {  	[sflag:s19] =	ssyncadd.s32 $0xFFFFC000  }
0x59: {  	[spmem:s4] =	stream.indirect.scatter.add.f32 [tilespmem:s18], [sflag:$0x3], $0x80, s17, s17, $0xb8;
	[tilespmem:$0x1C400] =	vst v63  }
0x5a: {  	_ =	swait.ge [sflag:s15], $0x4000  }
0x5b: {  	[sflag:s15] =	ssyncset.done $0x0  }
0x5c: {  	[sflag:s15] =	ssyncadd.s32 $0xFFFFC000  }
0x5d: {  	[spmem:s5] =	stream.indirect.scatter.add.f32 [tilespmem:s20], [sflag:$0x3], $0x1, s17, s17, $0xb8;
	[tilespmem:$0x1C400] =	vst v63  }
0x5e: {  	_ =	swait.ge [sflag:s15], $0x80  }
0x5f: {  	[sflag:s15] =	ssyncset.done $0x0  }
0x60: {  	[sflag:s15] =	ssyncadd.s32 $0xFFFFFF80  }
0x61: {  	[bflag:$0x0] =	sbarrier.arrive $0xFFFF  }
0x62: {  	[hbm:s9], [sflag:s8] =	dma.local [spmem:s14], $0x2800  }
0x63: {  	s21 =	sadd.s32 $0x1, s21;
	_ =	swait.ge [sflag:s15], $0x2800  }
0x64: {  	p0 =	sne.s32 s21, s11;
	[sflag:s15] =	ssyncset.done $0x0  }
.Ltmp1:
0x65: {  	[sflag:s15] =	ssyncadd.s32 $0xFFFFD800;
	(pc) =	sbr.rel @p0 .LBB2_1-.Ltmp1, $4  }
0x66: {  	[hbm:s10], [sflag:s8] =	dma.local [spmem:s16], $0x50  }
0x67: {  	_ =	swait.ge [sflag:s15], $0x50  }
0x68: {  	[sflag:s15] =	ssyncset.done $0x0  }
0x69: {  	[sflag:s15] =	ssyncadd.s32 $0xFFFFFFB0  }
0x6a: {  	_ =	sfence.sel $0x180000  }
0x6b: {  	[bflag:$0x0] =	sbarrier.arrive $0xFFFF  }
0x6c: {  	p0 =	sne.s32 s0, $0x0;
	_ =	strace $0x90000047  }
0x6d: {  	s0 =	sadd.s32 @!p0 $0x100000, s3;
	[bflag:$0x2] =	sbarrier.arrive $0xFFFF  }
0x6e: {  	[sflag:s0] =	ssyncadd.tile.s32 @!p0 $0x1;
	_ =	shalt  }
.Lfunc_end2:
_tile_overlayer_lowered:
.L_overlay_start_2:
0x6f: {  	(tag) =	ssettag $0x2  }
0x70: {  	s0 =	rddreg [dreg:$0x0];
	s2 =	stileid.u32  }
0x71: {  	s1 =	rddreg [dreg:$0x1];
	p0 =	sne.s32 s2, $0x0  }
0x72: {  	s3 =	rddreg [dreg:$0x2];
	[bflag:$0x3] =	sbarrier.arrive $0xFFFF;
	s2 =	simm.s32 @!p0 $0x1C03  }
0x73: {  	[timem:s3], [sflag:s2] =	dma.local @!p0 [hbm:s0], s1  }
0x74: {  	s0 =	simm.s32 @!p0 $0x3  }
0x75: {  	_ =	swait.ge @!p0 [sflag:s0], s1  }
0x76: {  	s1 =	ssub.s32 @!p0 $0x0, s1;
	[sflag:s0] =	ssyncset.done @!p0 $0x0  }
0x77: {  	[sflag:s0] =	ssyncadd.s32 @!p0 s1  }
0x78: {  	[bflag:$0x3] =	sbarrier.arrive $0xFFFF  }
0x79: {  	_ =	shalt  }

// kernel: kernel.9.cloned.1.call-start
scs
__scs_entry_jumppad:
0x0: {  	(pc) =	sbr.rel $0x88, $3  }
0x1: {  	(tag) =	ssettag $0x0;
	lr =	simm.s32 $0x1  }
0x2: {  	[smem:$0x3F94] =	sst lr;
	_ =	strace $0xD0000000  }
0x3: {  	_ = 	snop  }
0x4: {  	_ = 	snop  }
0x5: {  	_ = 	snop  }
0x6: {  	_ = 	snop  }
0x7: {  	_ = 	snop  }
__scs_overlays_trampoline_lowered:
0x8: {  	[smem:$0x3FA3] =	sst s0  }
0x9: {  	[smem:$0x3FA4] =	sst s1  }
0xa: {  	[smem:$0x3FA5] =	sst s2  }
0xb: {  	[smem:$0x3FA6] =	sst s3  }
0xc: {  	[smem:$0x3FA7] =	sst s4  }
0xd: {  	[smem:$0x3FA8] =	sst s5  }
0xe: {  	[smem:$0x3FA9] =	sst s6  }
0xf: {  	[smem:$0x3FAA] =	sst s7  }
0x10: {  	[smem:$0x3FAB] =	sst s8  }
0x11: {  	[smem:$0x3FAC] =	sst s9;
	s0 =	simm.s32 @!p0 $0x0  }
0x12: {  	s1 =	sld [smem:$0x3F92];
	s0 =	simm.s32 @p0 $0x1  }
0x13: {  	[smem:$0x3FAD] =	sst s0;
	s0 =	simm.s32 @!p1 $0x0  }
0x14: {  	s2 =	sld [smem:$0x3F91];
	s0 =	simm.s32 @p1 $0x1  }
0x15: {  	[smem:$0x3FAE] =	sst s0;
	s0 =	simm.s32 @!p2 $0x0  }
0x16: {  	s3 =	sld [smem:$0x3FDB];
	s0 =	simm.s32 @p2 $0x1  }
0x17: {  	s4 =	simm.s32 $0x1BF5;
	[smem:$0x3FB0] =	sst s0  }
0x18: {  	s0 =	sld [smem:$0x3F93];
	_ =	swait.ge [sflag:s4], $0x0  }
0x19: {  	s7 =	sld [smem:$0x3F94]  }
0x1a: {  	s8 =	sadd.s32 $0xFFFFE003, lr  }
0x1b: {  	s9 =	sadd.s32 $0xFFFFFEF7, lr;
	s5 =	simm.s32 $0xFFFFFFFF;
	p2 =	slt.u32 s8, $0xFFFFF086  }
0x1c: {  	p1 =	slt.u32 s9, $0xF7A;
	s5 =	simm.s32 @!p2 $0x0  }
0x1d: {  	s5 =	simm.s32 @p1 $0x1;
	p0 =	seq.s32 s7, s2  }
0x1e: {  	s7 =	smul.u32 @!p0 $0xF7A, s2;
	p2 =	seq.s32 @!p0 s5, $0x0  }
0x1f: {  	s9 =	smul.u32 $0xF7A, s1;
	s8 =	simm.s32 @!p0 $0x1BF5;
	p2 =	por !p2, p0  }
0x20: {  	[sflag:s8] =	ssyncset.s32 @!p0 $0xFFFFF086;
	s6 =	sadd.s32 @!p0 s3, s7;
	s7 =	simm.s32 @!p0 $0x108  }
0x21: {  	s3 =	sadd.s32 s3, s9;
	s6 =	sadd.s32 @!p0 $0x88, s6;
	s7 =	simm.s32 @p2 $0x1082  }
0x22: {  	[simem:s7], [sflag:s8] =	dma.local @!p0 [hbm:s6], $0xF7A  }
0x23: {  	s9 =	sor.u32 $0xD0000000, s2;
	s6 =	simm.s32 $0x108;
	_ =	swait.ge @!p0 [sflag:s8], $0x0  }
0x24: {  	s3 =	sadd.s32 $0x88, s3;
	s6 =	simm.s32 @!p1 $0x1082;
	[sflag:s4] =	ssyncset.s32 $0xFFFFF086  }
0x25: {  	[simem:s6], [sflag:s4] =	dma.local [hbm:s3], $0xF7A  }
0x26: {  	[smem:$0x3F94] =	sst s1;
	(tag) =	ssettag s2;
	_ =	strace s9  }
0x27: {  	s1 =	sld [smem:$0x3FA4]  }
0x28: {  	s2 =	sld [smem:$0x3FA5]  }
0x29: {  	s4 =	sld [smem:$0x3FA7]  }
0x2a: {  	p0 =	seq.s32 s5, $0x0;
	s5 =	sld [smem:$0x3FA8]  }
0x2b: {  	s6 =	sld [smem:$0x3FA9]  }
0x2c: {  	s7 =	sld [smem:$0x3FAA]  }
0x2d: {  	s3 =	simm.s32 $0x108;
	s8 =	sld [smem:$0x3FAB]  }
0x2e: {  	s3 =	simm.s32 @!p0 $0x1082;
	s9 =	sld [smem:$0x3FAC]  }
0x2f: {  	lr =	sadd.s32 s0, s3;
	s0 =	sld [smem:$0x3FA3]  }
0x30: {  	s3 =	sld [smem:$0x3FA6]  }
0x31: {  	[smem:$0x3FAF] =	sst s10  }
0x32: {  	s10 =	sld [smem:$0x3FAD];
	_ =	sdelay $0x3  }
0x33: {  	p0 =	seq.s32 s10, $0x1;
	s10 =	sld [smem:$0x3FAF];
	_ =	sdelay $0x3  }
0x34: {  	[smem:$0x3FAF] =	sst s10  }
0x35: {  	s10 =	sld [smem:$0x3FAE];
	_ =	sdelay $0x3  }
0x36: {  	p1 =	seq.s32 s10, $0x1;
	s10 =	sld [smem:$0x3FAF];
	_ =	sdelay $0x3  }
0x37: {  	[smem:$0x3FAF] =	sst s10  }
0x38: {  	s10 =	sld [smem:$0x3FB0]  }
0x39: {  	_ = 	snop;
	(pc) =	sbr.ind lr, $3  }
0x3a: {  	_ = 	snop  }
0x3b: {  	_ = 	snop  }
0x3c: {  	p2 =	seq.s32 s10, $0x1;
	s10 =	sld [smem:$0x3FAF]  }
0x3d: {  	_ =	shalt  }
0x3e: {  	_ =	shalt  }
0x3f: {  	_ =	shalt  }
0x40: {  	_ =	shalt  }
0x41: {  	_ =	shalt  }
0x42: {  	_ =	shalt  }
0x43: {  	_ =	shalt  }
0x44: {  	_ =	shalt  }
0x45: {  	_ =	shalt  }
0x46: {  	_ =	shalt  }
0x47: {  	_ =	shalt  }
0x48: {  	_ =	shalt  }
0x49: {  	_ =	shalt  }
0x4a: {  	_ =	shalt  }
0x4b: {  	_ =	shalt  }
0x4c: {  	_ =	shalt  }
0x4d: {  	_ =	shalt  }
0x4e: {  	_ =	shalt  }
0x4f: {  	_ =	shalt  }
0x50: {  	_ =	shalt  }
0x51: {  	_ =	shalt  }
0x52: {  	_ =	shalt  }
0x53: {  	_ =	shalt  }
0x54: {  	_ =	shalt  }
0x55: {  	_ =	shalt  }
0x56: {  	_ =	shalt  }
0x57: {  	_ =	shalt  }
0x58: {  	_ =	shalt  }
0x59: {  	_ =	shalt  }
0x5a: {  	_ =	shalt  }
0x5b: {  	_ =	shalt  }
0x5c: {  	_ =	shalt  }
0x5d: {  	_ =	shalt  }
0x5e: {  	_ =	shalt  }
0x5f: {  	_ =	shalt  }
0x60: {  	_ =	shalt  }
0x61: {  	_ =	shalt  }
0x62: {  	_ =	shalt  }
0x63: {  	_ =	shalt  }
0x64: {  	_ =	shalt  }
0x65: {  	_ =	shalt  }
0x66: {  	_ =	shalt  }
0x67: {  	_ =	shalt  }
0x68: {  	_ =	shalt  }
0x69: {  	_ =	shalt  }
0x6a: {  	_ =	shalt  }
0x6b: {  	_ =	shalt  }
0x6c: {  	_ =	shalt  }
0x6d: {  	_ =	shalt  }
0x6e: {  	_ =	shalt  }
0x6f: {  	_ =	shalt  }
0x70: {  	_ =	shalt  }
0x71: {  	_ =	shalt  }
0x72: {  	_ =	shalt  }
0x73: {  	_ =	shalt  }
0x74: {  	_ =	shalt  }
0x75: {  	_ =	shalt  }
0x76: {  	_ =	shalt  }
0x77: {  	_ =	shalt  }
0x78: {  	_ =	shalt  }
0x79: {  	_ =	shalt  }
0x7a: {  	_ =	shalt  }
0x7b: {  	_ =	shalt  }
0x7c: {  	_ =	shalt  }
0x7d: {  	_ =	shalt  }
0x7e: {  	_ =	shalt  }
0x7f: {  	_ =	shalt  }
0x80: {  	_ =	shalt  }
0x81: {  	_ =	shalt  }
0x82: {  	_ =	shalt  }
0x83: {  	_ =	shalt  }
0x84: {  	_ =	shalt  }
0x85: {  	_ =	shalt  }
0x86: {  	_ =	shalt  }
0x87: {  	_ =	shalt  }
.Lfunc_end0:
.L_simem_size_0:
called_computation.1_lowered:
.L_overlay_start_0:
0x88: {  	s2 =	sld [smem:$0x3FD9]  }
0x89: {  	s3 =	sld [smem:$0x3FFE];
	_ =	sdelay $0x1  }
0x8a: {  	s1 =	srdreg.scid  }
0x8b: {  	s0 =	sand.u32 $0x1, s1  }
0x8c: {  	s17 =	sshll.u32 s0, $0xA;
	s2 =	sadd.s32 s3, s2  }
0x8d: {  	s2 =	sadd.s32 s2, s17  }
0x8e: {  	[smem:$0x3FBB] =	sst s2  }
0x8f: {  	_ = 	snop  }
0x90: {  	s2 =	sld [smem:$0x3FD0];
	(tm) =	ssettm $0x1  }
0x91: {  	s18 =	sld [smem:$0x3FFB];
	_ =	sdelay $0x3  }
0x92: {  	_ =	strace s18  }
0x93: {  	s3 =	sld [smem:$0x3FFC];
	_ =	sdelay $0x3  }
0x94: {  	_ =	strace s3  }
0x95: {  	s3 =	sld [smem:$0x3FFD];
	_ =	sdelay $0x3  }
0x96: {  	_ =	strace s3  }
0x97: {  	_ =	strace $0x8FFFFFFF  }
0x98: {  	s19 =	sld [smem:$0x3FDB];
	_ =	sdelay $0x1  }
0x99: {  	s4 =	simm.s32 $_scs_section_size  }
0x9a: {  	s5 =	simm.s32 $_size__tile_overlayer_lowered;
	s6 =	simm.s32 $_tile_overlayer_lowered  }
0x9b: {  	s22 =	simm.s32 $0x1BFF;
	s21 =	sshll.u32 s6, $0x1;
	s3 =	sadd.s32 s4, s19  }
0x9c: {  	s7 =	simm.s32 $0x0;
	s20 =	sshll.u32 s5, $0x1;
	s5 =	sadd.s32 s21, s3  }
0x9d: {  	[timem:s7], [sflag:s22] =	dma.local [hbm:s5], s20  }
0x9e: {  	_ =	swait.ge [sflag:s22], s20  }
0x9f: {  	s4 =	ssub.s32 $0x0, s20;
	[sflag:s22] =	ssyncset.done $0x0  }
0xa0: {  	[sflag:s22] =	ssyncadd.s32 s4;
	_ =	sdelay $0x1  }
0xa1: {  	s23 =	simm.s32 $0x1B8B  }
0xa2: {  	_ =	swait.ge [sflag:s23], $0x1  }
0xa3: {  	[sflag:s23] =	ssyncset.done $0x0  }
0xa4: {  	s25 =	simm.s32 $0x1B8E;
	s24 =	sld [smem:$0x3FFE];
	[sflag:s23] =	ssyncadd.s32 $0xFFFFFFFF  }
0xa5: {  	s26 =	simm.s32 $execute0_lowered;
	[smem:$0x3FD2] =	sst s25  }
0xa6: {  	s5 =	sshll.u32 s26, $0x1;
	_ =	strace $0x80000049;
	[dreg:$0x1] =	wrdreg $0xFFFFFFFF  }
0xa7: {  	s28 =	simm.s32 $_size_execute0_lowered;
	s3 =	sadd.s32 s3, s5;
	[dreg:$0x0] =	wrdreg $0x0  }
0xa8: {  	s5 =	sshll.u32 s28, $0x1;
	[dreg:$0x2] =	wrdreg s3  }
0xa9: {  	[dreg:$0x3] =	wrdreg s5  }
0xaa: {  	[dreg:$0x4] =	wrdreg $0xC0  }
0xab: {  	_ =	task [dreg:s7], $0x5FFFF  }
0xac: {  	[dreg:$0x1] =	wrdreg $0xFFFFFFFF  }
0xad: {  	[dreg:$0x0] =	wrdreg $0x60  }
0xae: {  	[dreg:$0x2] =	wrdreg s24  }
0xaf: {  	[dreg:$0x3] =	wrdreg s2  }
0xb0: {  	[dreg:$0x4] =	wrdreg $0x81800  }
0xb1: {  	[dreg:$0x5] =	wrdreg $0xC1800  }
0xb2: {  	[dreg:$0x6] =	wrdreg $0x9  }
0xb3: {  	_ =	task.clear_ibuf [dreg:s7], $0x7FFFF;
	_ =	strace $0x90000049  }
0xb4: {  	s29 =	simm.s32 $0x9;
	_ =	strace $0x8000004B  }
0xb5: {  	_ =	swait.ge [sflag:s29], $0x1  }
0xb6: {  	[sflag:s29] =	ssyncadd.s32 $0xFFFFFFFF  }
0xb7: {  	_ =	strace $0x9000004B  }
0xb8: {  	_ =	sfence  }
0xb9: {  	s30 =	sld [smem:$0x0];
	_ =	sdelay $0x2  }
0xba: {  	s31 =	sshll.u32 s1, $0xD;
	s1 =	sshrl.u32 s1, $0x2  }
0xbb: {  	s3 =	sand.u32 $0x4000, s31;
	s1 =	sadd.s32 s1, s30  }
0xbc: {  	s0 =	sor.u32 s3, s0;
	s1 =	sshll.u32 s1, $0x11  }
0xbd: {  	s0 =	sor.u32 s1, s0  }
0xbe: {  	s0 =	sadd.s32 $0x8F2B, s0  }
0xbf: {  	[sflag:s0] =	ssyncadd.remote.s32 $0x1  }
0xc0: {  	_ =	sfence.sel $0xFFFF  }
0xc1: {  	[dreg:$0x0] =	wrdreg $0xFFFFFFFF;
	(pc) =	sbr.abs _section_cstart, $3  }
0xc2: {  	[dreg:$0x1] =	wrdreg $0xFFFFFFFF  }
0xc3: {  	_ =	task.clear_ibuf [dreg:s7], $0x2FFFF;
	_ =	strace $0x9FFFFFFF  }
0xc4: {  	(tm) =	ssettm $0x7FFFFFFF  }
0xc5: {  	_ =	shalt  }
tec
execute0_lowered:
.L_overlay_start_1:
0x0: {  	(tag) =	ssettag $0x1  }
0x1: {  	s8 =	rddreg [dreg:$0x0]  }
0x2: {  	s1 =	rddreg [dreg:$0x1]  }
0x3: {  	s2 =	rddreg [dreg:$0x2]  }
0x4: {  	s4 =	rddreg [dreg:$0x3]  }
0x5: {  	s0 =	rddreg [dreg:$0x4];
	s5 =	simm.s32 $0x0;
	s3 =	stileid.u32  }
0x6: {  	s11 =	srdreg.scid;
	s18 =	simm.s32 $0x100;
	s19 =	simm.s32 $0x1  }
0x7: {  	s20 =	simm.s32 $0x8100;
	s21 =	simm.s32 $0x0;
	[smem:$0x7FF] =	sst s5  }
0x8: {  	s9 =	sshll.u32 s3, $0x9;
	s6 =	sadd.s32 $0x17000, s8;
	s7 =	sadd.s32 $0x16E00, s8  }
0x9: {  	s12 =	sshll.u32 s3, $0xB;
	s11 =	sand.u32 $0x1, s11;
	s13 =	sshll.u32 s3, $0x4  }
0xa: {  	s15 =	sshll.u32 s3, $0xE;
	s28 =	sshll.u32 s3, $0x6;
	_ =	strace $0x8000004A  }
0xb: {  	s10 =	sadd.s32 s9, s8;
	s12 =	sadd.s32 s12, s8;
	s14 =	ssub.s32 $0x2, s11  }
0xc: {  	s13 =	sadd.s32 s13, s8;
	s16 =	sshll.u32 s11, $0x8;
	s15 =	sadd.s32 s15, s2  }
0xd: {  	s9 =	sshrl.u32 s9, $0x2;
	s11 =	sshll.u32 s11, $0xF;
	s8 =	sor.u32 $0x1C03, s28  }
0xe: {  	s26 =	sshrl.u32 s14, $0x1;
	s17 =	sadd.s32 s9, s4;
	s29 =	sadd.s32 s11, s12  }
0xf: {  	s30 =	sadd.s32 s16, s13;
	s31 =	sadd.s32 s16, s10;
	s14 =	ssub.s32 s14, s26  }
0x10: {  	s9 =	sadd.s32 $0x2C00, s29;
	s10 =	sadd.s32 $0x2A00, s30;
	s12 =	sadd.s32 $0x69C00, s31  }
0x11: {  	s13 =	sadd.s32 $0x67A00, s31;
	s16 =	sshrl.u32 s17, $0x3;
	s17 =	simm.s32 $0x80  }
0x12: {  	v0 =	vimm.f32 $1.000000000e+00;
	s11 =	smax.u32 s14, $0x1;
	s14 =	sshrl.u32 s15, $0x3;
	s15 =	simm.s32 $0x3  }
.LBB2_1:
0x13: {  	[spmem:s14], [sflag:s8] =	dma.local [hbm:s1], $0x800  }
0x14: {  	_ =	swait.ge [sflag:s15], $0x800  }
0x15: {  	[sflag:s15] =	ssyncset.done $0x0  }
0x16: {  	[sflag:s15] =	ssyncadd.s32 $0xFFFFF800  }
0x17: {  	[spmem:s16], [sflag:s8] =	dma.local [hbm:s7], $0x10  }
0x18: {  	_ =	swait.ge [sflag:s15], $0x10  }
0x19: {  	[sflag:s15] =	ssyncset.done $0x0  }
0x1a: {  	[sflag:s15] =	ssyncadd.s32 $0xFFFFFFF0  }
0x1b: {  	[tilespmem:$0x8100] =	vst v0  }
0x1c: {  	[tilespmem:$0x8110] =	vst v0  }
0x1d: {  	[tilespmem:$0x8120] =	vst v0  }
0x1e: {  	[tilespmem:$0x8130] =	vst v0  }
0x1f: {  	[tilespmem:$0x8140] =	vst v0  }
0x20: {  	[tilespmem:$0x8150] =	vst v0  }
0x21: {  	[tilespmem:$0x8160] =	vst v0  }
0x22: {  	[tilespmem:$0x8170] =	vst v0  }
0x23: {  	s22 =	sadd.s32 $0x0, s13;
	[bflag:$0x0] =	sbarrier.arrive $0xFFFF  }
0x24: {  	[tilespmem:s5], [sflag:$0x3] =	stream.linear.gather [hbm4b:s22+s5], $0x80, $0x38;
	[tilespmem:$0xC200] =	vst v63  }
0x25: {  	_ =	swait.ge [sflag:s15], $0x80  }
0x26: {  	[sflag:s15] =	ssyncset.done $0x0  }
0x27: {  	s31 =	sadd.s32 $0x0, s12;
	[sflag:s15] =	ssyncadd.s32 $0xFFFFFF80  }
0x28: {  	[tilespmem:s17], [sflag:$0x3] =	stream.linear.gather [hbm4b:s31+s5], $0x80, $0x38;
	[tilespmem:$0xC200] =	vst v63  }
0x29: {  	_ =	swait.ge [sflag:s15], $0x80  }
0x2a: {  	[sflag:s15] =	ssyncset.done $0x0  }
0x2b: {  	[sflag:s15] =	ssyncadd.s32 $0xFFFFFF80  }
0x2c: {  	[tilespmem:s18], [sflag:$0x1] =	stream.indirect.gather [hbm4b:s6+s17], $0x80, s5, s17, $0xb8;
	[tilespmem:$0xC200] =	vst v63  }
0x2d: {  	_ =	swait.ge [sflag:s19], $0x4000  }
0x2e: {  	[sflag:s19] =	ssyncset.done $0x0  }
0x2f: {  	[sflag:s19] =	ssyncadd.s32 $0xFFFFC000  }
0x30: {  	[spmem:s2] =	stream.indirect.scatter.add.f32 [tilespmem:s18], [sflag:$0x3], $0x80, s17, s17, $0xb8;
	[tilespmem:$0xC200] =	vst v63  }
0x31: {  	_ =	swait.ge [sflag:s15], $0x4000  }
0x32: {  	[sflag:s15] =	ssyncset.done $0x0  }
0x33: {  	[sflag:s15] =	ssyncadd.s32 $0xFFFFC000  }
0x34: {  	[spmem:s4] =	stream.indirect.scatter.add.f32 [tilespmem:s20], [sflag:$0x3], $0x1, s17, s17, $0xb8;
	[tilespmem:$0xC200] =	vst v63  }
0x35: {  	_ =	swait.ge [sflag:s15], $0x80  }
0x36: {  	s23 =	simm.s32 $0x20;
	s22 =	simm.s32 $0x10;
	[sflag:s15] =	ssyncset.done $0x0  }
.LBB2_2:
0x37: {  	s24 =	sadd.s32 s22, s13  }
0x38: {  	[sflag:s15] =	ssyncadd.s32 $0xFFFFFF80;
	s25 =	smov.u32 s23;
	s26 =	sadd.s32 $0x10, s23  }
0x39: {  	[tilespmem:s5], [sflag:$0x3] =	stream.linear.gather [hbm4b:s24+s5], $0x80, $0x38;
	[tilespmem:$0xC200] =	vst v63  }
0x3a: {  	p0 =	sne.s32 s23, $0xF0;
	_ =	swait.ge [sflag:s15], $0x80  }
0x3b: {  	[sflag:s15] =	ssyncset.done $0x0  }
0x3c: {  	s23 =	sadd.s32 s22, s12;
	s22 =	smov.u32 s25;
	[sflag:s15] =	ssyncadd.s32 $0xFFFFFF80  }
0x3d: {  	[tilespmem:s17], [sflag:$0x3] =	stream.linear.gather [hbm4b:s23+s5], $0x80, $0x38;
	[tilespmem:$0xC200] =	vst v63  }
0x3e: {  	_ =	swait.ge [sflag:s15], $0x80  }
0x3f: {  	[sflag:s15] =	ssyncset.done $0x0  }
0x40: {  	[sflag:s15] =	ssyncadd.s32 $0xFFFFFF80  }
0x41: {  	[tilespmem:s18], [sflag:$0x1] =	stream.indirect.gather [hbm4b:s6+s17], $0x80, s5, s17, $0xb8;
	[tilespmem:$0xC200] =	vst v63  }
0x42: {  	_ =	swait.ge [sflag:s19], $0x4000  }
0x43: {  	[sflag:s19] =	ssyncset.done $0x0  }
0x44: {  	[sflag:s19] =	ssyncadd.s32 $0xFFFFC000  }
0x45: {  	[spmem:s2] =	stream.indirect.scatter.add.f32 [tilespmem:s18], [sflag:$0x3], $0x80, s17, s17, $0xb8;
	[tilespmem:$0xC200] =	vst v63  }
0x46: {  	_ =	swait.ge [sflag:s15], $0x4000  }
.Ltmp0:
0x47: {  	[sflag:s15] =	ssyncset.done $0x0;
	(pc) =	sbr.rel @p0 .LBB2_2-.Ltmp0, $4  }
0x48: {  	[sflag:s15] =	ssyncadd.s32 $0xFFFFC000  }
0x49: {  	[spmem:s4] =	stream.indirect.scatter.add.f32 [tilespmem:s20], [sflag:$0x3], $0x1, s17, s17, $0xb8;
	[tilespmem:$0xC200] =	vst v63  }
0x4a: {  	_ =	swait.ge [sflag:s15], $0x80  }
0x4b: {  	s23 =	smov.u32 s26;
	[sflag:s15] =	ssyncset.done $0x0  }
0x4c: {  	s23 =	sadd.s32 s22, s13;
	[sflag:s15] =	ssyncadd.s32 $0xFFFFFF80  }
0x4d: {  	[tilespmem:s5], [sflag:$0x3] =	stream.linear.gather [hbm4b:s23+s5], $0x80, $0x38;
	[tilespmem:$0xC200] =	vst v63  }
0x4e: {  	_ =	swait.ge [sflag:s15], $0x80  }
0x4f: {  	[sflag:s15] =	ssyncset.done $0x0  }
0x50: {  	s31 =	sadd.s32 s22, s12;
	[sflag:s15] =	ssyncadd.s32 $0xFFFFFF80  }
0x51: {  	[tilespmem:s17], [sflag:$0x3] =	stream.linear.gather [hbm4b:s31+s5], $0x80, $0x38;
	[tilespmem:$0xC200] =	vst v63  }
0x52: {  	_ =	swait.ge [sflag:s15], $0x80  }
0x53: {  	[sflag:s15] =	ssyncset.done $0x0  }
0x54: {  	[sflag:s15] =	ssyncadd.s32 $0xFFFFFF80  }
0x55: {  	[tilespmem:s18], [sflag:$0x1] =	stream.indirect.gather [hbm4b:s6+s17], $0x80, s5, s17, $0xb8;
	[tilespmem:$0xC200] =	vst v63  }
0x56: {  	_ =	swait.ge [sflag:s19], $0x4000  }
0x57: {  	[sflag:s19] =	ssyncset.done $0x0  }
0x58: {  	[sflag:s19] =	ssyncadd.s32 $0xFFFFC000  }
0x59: {  	[spmem:s2] =	stream.indirect.scatter.add.f32 [tilespmem:s18], [sflag:$0x3], $0x80, s17, s17, $0xb8;
	[tilespmem:$0xC200] =	vst v63  }
0x5a: {  	_ =	swait.ge [sflag:s15], $0x4000  }
0x5b: {  	[sflag:s15] =	ssyncset.done $0x0  }
0x5c: {  	[sflag:s15] =	ssyncadd.s32 $0xFFFFC000  }
0x5d: {  	[spmem:s4] =	stream.indirect.scatter.add.f32 [tilespmem:s20], [sflag:$0x3], $0x1, s17, s17, $0xb8;
	[tilespmem:$0xC200] =	vst v63  }
0x5e: {  	_ =	swait.ge [sflag:s15], $0x80  }
0x5f: {  	[sflag:s15] =	ssyncset.done $0x0  }
0x60: {  	[sflag:s15] =	ssyncadd.s32 $0xFFFFFF80  }
0x61: {  	[bflag:$0x0] =	sbarrier.arrive $0xFFFF  }
0x62: {  	[hbm:s9], [sflag:s8] =	dma.local [spmem:s14], $0x800  }
0x63: {  	s21 =	sadd.s32 $0x1, s21;
	_ =	swait.ge [sflag:s15], $0x800  }
0x64: {  	p0 =	sne.s32 s21, s11;
	[sflag:s15] =	ssyncset.done $0x0  }
.Ltmp1:
0x65: {  	[sflag:s15] =	ssyncadd.s32 $0xFFFFF800;
	(pc) =	sbr.rel @p0 .LBB2_1-.Ltmp1, $4  }
0x66: {  	[hbm:s10], [sflag:s8] =	dma.local [spmem:s16], $0x10  }
0x67: {  	_ =	swait.ge [sflag:s15], $0x10  }
0x68: {  	[sflag:s15] =	ssyncset.done $0x0  }
0x69: {  	[sflag:s15] =	ssyncadd.s32 $0xFFFFFFF0  }
0x6a: {  	_ =	sfence.sel $0x180000  }
0x6b: {  	[bflag:$0x0] =	sbarrier.arrive $0xFFFF  }
0x6c: {  	p0 =	sne.s32 s3, $0x0;
	_ =	strace $0x9000004A  }
0x6d: {  	s0 =	sadd.s32 @!p0 $0x100000, s0;
	[bflag:$0x2] =	sbarrier.arrive $0xFFFF  }
0x6e: {  	[sflag:s0] =	ssyncadd.tile.s32 @!p0 $0x1;
	_ =	shalt  }
.Lfunc_end2:
_tile_overlayer_lowered:
.L_overlay_start_2:
0x6f: {  	(tag) =	ssettag $0x2  }
0x70: {  	s0 =	rddreg [dreg:$0x0];
	s2 =	stileid.u32  }
0x71: {  	s1 =	rddreg [dreg:$0x1];
	p0 =	sne.s32 s2, $0x0  }
0x72: {  	s3 =	rddreg [dreg:$0x2];
	[bflag:$0x3] =	sbarrier.arrive $0xFFFF;
	s2 =	simm.s32 @!p0 $0x1C03  }
0x73: {  	[timem:s3], [sflag:s2] =	dma.local @!p0 [hbm:s0], s1  }
0x74: {  	s0 =	simm.s32 @!p0 $0x3  }
0x75: {  	_ =	swait.ge @!p0 [sflag:s0], s1  }
0x76: {  	s1 =	ssub.s32 @!p0 $0x0, s1;
	[sflag:s0] =	ssyncset.done @!p0 $0x0  }
0x77: {  	[sflag:s0] =	ssyncadd.s32 @!p0 s1  }
0x78: {  	[bflag:$0x3] =	sbarrier.arrive $0xFFFF  }
0x79: {  	_ =	shalt  }

</sc_bundles>
